<compile_context>
chip_gen: v7x
topology: tpu7x:2x2x1
jax: 0.10.2.dev20260603
libtpu: 0.0.44.dev20260713+nightly
codegen_flags: <defaults>
</compile_context>

<pallas_src>
import functools

import jax
import jax.numpy as jnp
from jax import lax
from jax.experimental import pallas as pl
from jax.experimental.pallas import tpu as pltpu
from jax.experimental.pallas import tpu_sc as plsc

N = 10000
E = 320000
IN_DIM = 128
HID = 256
HALF = 64

NC = 2
NS = 16
NW = NC * NS
CHUNK = 128
NCHUNKS = E // CHUNK
BASE_CH = NCHUNKS // NW
EXTRA_W = NCHUNKS - BASE_CH * NW
NPAD = 10240
ROWS_PER_TILE = NPAD // NS


def _mlp_body(x_ref, w0_ref, b0_ref, w1_ref, b1_ref, o_ref, obf_ref):
    h = jnp.dot(x_ref[...], w0_ref[...], preferred_element_type=jnp.float32)
    h = jnp.maximum(h + b0_ref[...], 0.0)
    r = jnp.dot(h, w1_ref[...], preferred_element_type=jnp.float32) + b1_ref[...]
    o_ref[...] = r
    obf_ref[...] = r.astype(jnp.bfloat16)


def _mlp(x, W0, b0, W1, b1):
    BLK = 2000
    return pl.pallas_call(
        _mlp_body,
        grid=(N // BLK,),
        in_specs=[
            pl.BlockSpec((BLK, IN_DIM), lambda i: (i, 0)),
            pl.BlockSpec((IN_DIM, HID), lambda i: (0, 0)),
            pl.BlockSpec((1, HID), lambda i: (0, 0)),
            pl.BlockSpec((HID, HALF), lambda i: (0, 0)),
            pl.BlockSpec((1, HALF), lambda i: (0, 0)),
        ],
        out_specs=[pl.BlockSpec((BLK, HALF), lambda i: (i, 0)),
                   pl.BlockSpec((BLK, HALF), lambda i: (i, 0))],
        out_shape=[jax.ShapeDtypeStruct((NPAD, HALF), jnp.float32),
                   jax.ShapeDtypeStruct((NPAD, HALF), jnp.bfloat16)],
    )(x, W0, b0.reshape(1, HID), W1, b1.reshape(1, HALF))


def _sc_scatter(h, edges3):
    mesh = plsc.VectorSubcoreMesh(core_axis_name="c", subcore_axis_name="s")

    @functools.partial(
        pl.kernel,
        mesh=mesh,
        compiler_params=pltpu.CompilerParams(use_tc_tiling_on_sc=False),
        out_type=jax.ShapeDtypeStruct((NC, NPAD, HALF), jnp.bfloat16),
        scratch_types=[
            pltpu.VMEM((BASE_CH + 1, 2, CHUNK), jnp.int32),
            pltpu.VMEM((CHUNK, HALF), jnp.bfloat16),
            pltpu.VMEM((CHUNK, HALF), jnp.bfloat16),
            pltpu.VMEM((CHUNK, HALF), jnp.bfloat16),
            pltpu.VMEM((CHUNK, HALF), jnp.bfloat16),
            pltpu.VMEM_SHARED((NPAD, HALF), jnp.bfloat16),
            pltpu.VMEM_SHARED((NPAD, HALF), jnp.bfloat16),
            pltpu.SemaphoreType.DMA,
            pltpu.SemaphoreType.DMA,
            pltpu.SemaphoreType.DMA,
            pltpu.SemaphoreType.DMA,
            pltpu.SemaphoreType.DMA,
            pltpu.SemaphoreType.DMA,
            pltpu.SemaphoreType.DMA,
            pltpu.SemaphoreType.DMA,
        ],
    )
    def k(h_hbm, e_hbm, out_hbm,
          idx_v, rows0, rows1, rows2, rows3, accum, h_sp,
          gsem0, gsem1, gsem2, gsem3, ssem0, ssem1, ssem2, ssem3):
        cid = lax.axis_index("c")
        sid = lax.axis_index("s")
        wid = sid * NC + cid

        zv = jnp.zeros((32,), jnp.bfloat16)

        def zrow(r, carry):
            rows0[r, 0:32] = zv
            rows0[r, 32:64] = zv
            return carry

        lax.fori_loop(0, CHUNK, zrow, 0)

        sl = pl.ds(sid * ROWS_PER_TILE, ROWS_PER_TILE)
        pltpu.async_copy(h_hbm.at[sl], h_sp.at[sl], gsem1)
        ch0 = wid * BASE_CH
        pltpu.async_copy(e_hbm.at[pl.ds(ch0, BASE_CH)],
                         idx_v.at[pl.ds(0, BASE_CH)], gsem2)
        for i in range(ROWS_PER_TILE // CHUNK):
            pltpu.async_copy(
                rows0, accum.at[pl.ds(sid * ROWS_PER_TILE + i * CHUNK, CHUNK)],
                gsem3)
        for i in range(ROWS_PER_TILE // CHUNK):
            pltpu.make_async_copy(
                rows0, accum.at[pl.ds(sid * ROWS_PER_TILE + i * CHUNK, CHUNK)],
                gsem3).wait()
        pltpu.make_async_copy(h_hbm.at[sl], h_sp.at[sl], gsem1).wait()
        pltpu.make_async_copy(e_hbm.at[pl.ds(ch0, BASE_CH)],
                              idx_v.at[pl.ds(0, BASE_CH)], gsem2).wait()
        plsc.subcore_barrier()

        rows = (rows0, rows1, rows2, rows3)
        gsem = (gsem0, gsem1, gsem2, gsem3)
        ssem = (ssem0, ssem1, ssem2, ssem3)
        ngrp = BASE_CH // 4
        tail0 = 4 * ngrp

        pltpu.async_copy(h_sp.at[idx_v.at[0, 0]], rows[0], gsem[0])
        pltpu.async_copy(h_sp.at[idx_v.at[1, 0]], rows[1], gsem[1])

        def group_body(t, carry):
            j_base = 4 * t
            for b in range(4):
                j = j_base + b
                b2 = (b + 2) % 4
                pltpu.make_async_copy(h_sp.at[idx_v.at[j, 0]], rows[b], gsem[b]).wait()
                pltpu.async_copy(rows[b], accum.at[idx_v.at[j, 1]], ssem[b], add=True)

                @pl.when(j >= 2)
                def _():
                    pltpu.make_async_copy(
                        rows[b2], accum.at[idx_v.at[j, 1]], ssem[b2]).wait()

                @pl.when(j + 2 < BASE_CH)
                def _():
                    pltpu.async_copy(h_sp.at[idx_v.at[j + 2, 0]], rows[b2], gsem[b2])
            return carry

        lax.fori_loop(0, ngrp, group_body, 0)

        for j in (tail0, tail0 + 1):
            b = j % 4
            pltpu.make_async_copy(h_sp.at[idx_v.at[j, 0]], rows[b], gsem[b]).wait()
            pltpu.async_copy(rows[b], accum.at[idx_v.at[j, 1]], ssem[b], add=True)
        for jj in range(BASE_CH - 4, BASE_CH):
            b = jj % 4
            pltpu.make_async_copy(rows[b], accum.at[idx_v.at[0, 1]], ssem[b]).wait()

        @pl.when(wid < EXTRA_W)
        def _():
            xc = NW * BASE_CH + wid
            pltpu.sync_copy(e_hbm.at[pl.ds(xc, 1)], idx_v.at[pl.ds(0, 1)])
            pltpu.async_copy(h_sp.at[idx_v.at[0, 0]], rows0, gsem0).wait()
            pltpu.sync_copy(rows0, accum.at[idx_v.at[0, 1]], add=True)

        plsc.subcore_barrier()

        pltpu.sync_copy(accum.at[pl.ds(sid * ROWS_PER_TILE, ROWS_PER_TILE)],
                        out_hbm.at[cid, pl.ds(sid * ROWS_PER_TILE, ROWS_PER_TILE)])

    return k(h, edges3)


def _concat_body(h_ref, p_ref, o_ref):
    o_ref[:, :HALF] = h_ref[...]
    o_ref[:, HALF:] = p_ref[0].astype(jnp.float32) + p_ref[1].astype(jnp.float32)


def _concat(h, partials):
    BLK = 2000
    return pl.pallas_call(
        _concat_body,
        grid=(N // BLK,),
        in_specs=[
            pl.BlockSpec((BLK, HALF), lambda i: (i, 0)),
            pl.BlockSpec((NC, BLK, HALF), lambda i: (0, i, 0)),
        ],
        out_specs=pl.BlockSpec((BLK, 2 * HALF), lambda i: (i, 0)),
        out_shape=jax.ShapeDtypeStruct((N, 2 * HALF), jnp.float32),
    )(h, partials)


def kernel(features, edge_index, W0, b0, W1, b1):
    h, hbf = _mlp(features, W0, b0, W1, b1)

    edges3 = edge_index.reshape(2, NCHUNKS, CHUNK).transpose(1, 0, 2)
    partials = _sc_scatter(hbf, edges3)
    return _concat(h, partials)

# --- scband reference (transcript-rebuilt; emitter-appended) ---
"""Pipeline reference for scband-wlsmlplayer-49065706389959 (READ-ONLY COPY).

The authoritative reference and input builder live on the scoring server;
editing this copy changes nothing except your own understanding.
"""

import jax, jax.numpy as jnp
import numpy as np

N = 10000
E = 320000
IN_DIM = 128
OUT_DIM = 128
HALF = OUT_DIM // 2   # KernelMLP output dim = out_dim // 2
SCALE = 2
HID = IN_DIM * SCALE  # n_hidden=1 hidden layer, scaled by scale_hidden


def setup_inputs(seed: int = 0) -> dict:
    key = jax.random.key(seed)
    k1, k2, k3, k4 = jax.random.split(key, 4)
    x = jax.random.normal(k1, (N, IN_DIM), dtype=jnp.float32)
    edge_index = jax.random.randint(k2, (2, E), 0, N, dtype=jnp.int32)
    # KernelMLP params: in_dim -> in_dim*scale_hidden -> out_dim//2
    W0 = jax.random.normal(k3, (IN_DIM, HID), dtype=jnp.float32) / np.sqrt(IN_DIM)
    b0 = jnp.zeros((HID,), dtype=jnp.float32)
    W1 = jax.random.normal(k4, (HID, HALF), dtype=jnp.float32) / np.sqrt(HID)
    b1 = jnp.zeros((HALF,), dtype=jnp.float32)
    return {"features": x, "edge_index": edge_index, "W0": W0, "b0": b0, "W1": W1, "b1": b1}


def reference(features, edge_index, W0, b0, W1, b1):
    # KernelMLP transform (kernel lifting): MLP with one hidden layer, ReLU, no dropout at eval
    h = jnp.maximum(features @ W0 + b0, 0.0)
    h = h @ W1 + b1  # [N, HALF]
    # graph.update_all(fn.copy_src('h','m'), fn.sum('m','h')):
    # for each edge (src, dst), message = h[src], summed at dst
    src = edge_index[0]
    dst = edge_index[1]
    msgs = jnp.take(h, src, axis=0)           # gather  [E, HALF]
    agg = jax.ops.segment_sum(msgs, dst, num_segments=N)  # scatter-add [N, HALF]
    # concat transformed features with aggregated neighbor features
    out = jnp.concatenate([h, agg], axis=-1)  # [N, OUT_DIM]
    return out

if __name__ == "__main__":
    import jax
    _d = setup_inputs()
    print(jax.jit(kernel)(*tuple(_d.values())))

</pallas_src>

<mosaic_0001>
#map = affine_map<(d0, d1) -> (0, 0)>
#map1 = affine_map<(d0, d1) -> (0, 0, 0)>
module attributes {stable_mosaic.version = 14 : i64} {
  func.func @k(%arg0: i32, %arg1: i32, %arg2: memref<10240x64xbf16, #tpu.memory_space<hbm>>, %arg3: memref<2500x2x128xi32, #tpu.memory_space<hbm>>, %arg4: memref<2x10240x64xbf16, #tpu.memory_space<hbm>>, %arg5: memref<79x2x128xi32, #tpu.memory_space<vmem>>, %arg6: memref<128x64xbf16, #tpu.memory_space<vmem>>, %arg7: memref<128x64xbf16, #tpu.memory_space<vmem>>, %arg8: memref<128x64xbf16, #tpu.memory_space<vmem>>, %arg9: memref<128x64xbf16, #tpu.memory_space<vmem>>, %arg10: memref<10240x64xbf16, #tpu.memory_space<vmem_shared>>, %arg11: memref<10240x64xbf16, #tpu.memory_space<vmem_shared>>, %arg12: memref<!tpu.dma_semaphore, #tpu.memory_space<semaphore_mem>>, %arg13: memref<!tpu.dma_semaphore, #tpu.memory_space<semaphore_mem>>, %arg14: memref<!tpu.dma_semaphore, #tpu.memory_space<semaphore_mem>>, %arg15: memref<!tpu.dma_semaphore, #tpu.memory_space<semaphore_mem>>, %arg16: memref<!tpu.dma_semaphore, #tpu.memory_space<semaphore_mem>>, %arg17: memref<!tpu.dma_semaphore, #tpu.memory_space<semaphore_mem>>, %arg18: memref<!tpu.dma_semaphore, #tpu.memory_space<semaphore_mem>>, %arg19: memref<!tpu.dma_semaphore, #tpu.memory_space<semaphore_mem>>) attributes {dimension_semantics = [#tpu.dimension_semantics<core_parallel>, #tpu.dimension_semantics<subcore_parallel>], iteration_bounds = array<i64: 2, 16>, scalar_prefetch = 0 : i64, scratch_operands = 15 : i64, tpu.core_type = #tpu.core_type<sc_vector_subcore>, window_params = [{transform_indices = #map}, {transform_indices = #map1}, {transform_indices = #map1}]} {
    %mul3A = arith.constant 2 : i32
    %mul3A_0 = arith.muli %arg1, %mul3A : i32
    %add3A = arith.addi %mul3A_0, %arg0 : i32
    %broadcast_in_dim3A = arith.constant 0.000000e+00 : bf16
    %broadcast_in_dim3A_1 = vector.broadcast %broadcast_in_dim3A : bf16 to vector<32xbf16>
    %scan3A = arith.constant 0 : i32
    %scan3A_2 = arith.constant 0 : i32
    %scan3A_3 = arith.constant 128 : i32
    %scan3A_4 = arith.addi %scan3A_2, %scan3A_3 : i32
    %scan3A_5 = arith.constant 1 : i32
    scf.for %scan3A_218 = %scan3A_2 to %scan3A_4 step %scan3A_5  : i32 {
      %swap3A = arith.index_cast %scan3A_218 : i32 to index
      %swap3A_219 = arith.constant 0 : index
      %swap3A_220 = tpu.vector_load %arg6[%swap3A, %swap3A_219] {strides = array<i32>} : memref<128x64xbf16, #tpu.memory_space<vmem>>, vector<1x32xbf16>,
      %swap3A_221 = vector.shape_cast %swap3A_220 : vector<1x32xbf16> to vector<32xbf16>
      %swap3A_222 = vector.shape_cast %broadcast_in_dim3A_1 : vector<32xbf16> to vector<1x32xbf16>
      tpu.vector_store %arg6[%swap3A, %swap3A_219], %swap3A_222 {strides = array<i32>} : memref<128x64xbf16, #tpu.memory_space<vmem>>, vector<1x32xbf16>,
      %swap3A_223 = arith.index_cast %scan3A_218 : i32 to index
      %swap3A_224 = arith.constant 32 : index
      %swap3A_225 = tpu.vector_load %arg6[%swap3A_223, %swap3A_224] {strides = array<i32>} : memref<128x64xbf16, #tpu.memory_space<vmem>>, vector<1x32xbf16>,
      %swap3A_226 = vector.shape_cast %swap3A_225 : vector<1x32xbf16> to vector<32xbf16>
      %swap3A_227 = vector.shape_cast %broadcast_in_dim3A_1 : vector<32xbf16> to vector<1x32xbf16>
      tpu.vector_store %arg6[%swap3A_223, %swap3A_224], %swap3A_227 {strides = array<i32>} : memref<128x64xbf16, #tpu.memory_space<vmem>>, vector<1x32xbf16>,
    }
    %scan3A_6 = arith.constant 128 : i32
    %mul3A_7 = arith.constant 640 : i32
    %mul3A_8 = arith.muli %arg1, %mul3A_7 : i32
    %dma_start3A = arith.constant 0 : i32
    %dma_start3A_9 = tpu.memref_slice %arg11[%mul3A_8, %dma_start3A] : memref<10240x64xbf16, #tpu.memory_space<vmem_shared>> -> memref<640x64xbf16, #tpu.memory_space<vmem_shared>>
    %dma_start3A_10 = arith.constant 0 : i32
    %dma_start3A_11 = tpu.memref_slice %arg2[%mul3A_8, %dma_start3A_10] : memref<10240x64xbf16, #tpu.memory_space<hbm>> -> memref<640x64xbf16, #tpu.memory_space<hbm>>
    tpu.enqueue_dma source(%dma_start3A_11 : memref<640x64xbf16, #tpu.memory_space<hbm>>) target(%dma_start3A_9 : memref<640x64xbf16, #tpu.memory_space<vmem_shared>>) target_semaphore(%arg13 : memref<!tpu.dma_semaphore, #tpu.memory_space<semaphore_mem>>)
    %mul3A_12 = arith.constant 78 : i32
    %mul3A_13 = arith.muli %add3A, %mul3A_12 : i32
    %dma_start3A_14 = arith.constant 0 : i32
    %dma_start3A_15 = arith.constant 0 : i32
    %dma_start3A_16 = arith.constant 0 : i32
    %dma_start3A_17 = tpu.memref_slice %arg5[%dma_start3A_14, %dma_start3A_15, %dma_start3A_16] : memref<79x2x128xi32, #tpu.memory_space<vmem>> -> memref<78x2x128xi32, #tpu.memory_space<vmem>>
    %dma_start3A_18 = arith.constant 0 : i32
    %dma_start3A_19 = arith.constant 0 : i32
    %dma_start3A_20 = tpu.memref_slice %arg3[%mul3A_13, %dma_start3A_18, %dma_start3A_19] : memref<2500x2x128xi32, #tpu.memory_space<hbm>> -> memref<78x2x128xi32, #tpu.memory_space<hbm>>
    %dma_start3A_21 = arith.constant 0 : i32
    %dma_start3A_22 = arith.constant 0 : i32
    %dma_start3A_23 = arith.constant 0 : i32
    %dma_start3A_24 = tpu.memref_slice %arg5[%dma_start3A_21, %dma_start3A_22, %dma_start3A_23] : memref<79x2x128xi32, #tpu.memory_space<vmem>> -> memref<78x2x128xi32, #tpu.memory_space<vmem>>
    %dma_start3A_25 = arith.constant 0 : i32
    %dma_start3A_26 = arith.constant 0 : i32
    %dma_start3A_27 = tpu.memref_slice %arg3[%mul3A_13, %dma_start3A_25, %dma_start3A_26] : memref<2500x2x128xi32, #tpu.memory_space<hbm>> -> memref<78x2x128xi32, #tpu.memory_space<hbm>>
    tpu.enqueue_dma source(%dma_start3A_27 : memref<78x2x128xi32, #tpu.memory_space<hbm>>) target(%dma_start3A_24 : memref<78x2x128xi32, #tpu.memory_space<vmem>>) target_semaphore(%arg14 : memref<!tpu.dma_semaphore, #tpu.memory_space<semaphore_mem>>)
    %mul3A_28 = arith.constant 640 : i32
    %mul3A_29 = arith.muli %arg1, %mul3A_28 : i32
    %add3A_30 = arith.constant 0 : i32
    %add3A_31 = arith.addi %mul3A_29, %add3A_30 : i32
    %dma_start3A_32 = arith.constant 0 : i32
    %dma_start3A_33 = tpu.memref_slice %arg10[%add3A_31, %dma_start3A_32] : memref<10240x64xbf16, #tpu.memory_space<vmem_shared>> -> memref<128x64xbf16, #tpu.memory_space<vmem_shared>>
    %dma_start3A_34 = arith.constant 0 : i32
    %dma_start3A_35 = tpu.memref_slice %arg10[%add3A_31, %dma_start3A_34] : memref<10240x64xbf16, #tpu.memory_space<vmem_shared>> -> memref<128x64xbf16, #tpu.memory_space<vmem_shared>>
    tpu.enqueue_dma source(%arg6 : memref<128x64xbf16, #tpu.memory_space<vmem>>) target(%dma_start3A_35 : memref<128x64xbf16, #tpu.memory_space<vmem_shared>>) target_semaphore(%arg15 : memref<!tpu.dma_semaphore, #tpu.memory_space<semaphore_mem>>)
    %mul3A_36 = arith.constant 640 : i32
    %mul3A_37 = arith.muli %arg1, %mul3A_36 : i32
    %add3A_38 = arith.constant 128 : i32
    %add3A_39 = arith.addi %mul3A_37, %add3A_38 : i32
    %dma_start3A_40 = arith.constant 0 : i32
    %dma_start3A_41 = tpu.memref_slice %arg10[%add3A_39, %dma_start3A_40] : memref<10240x64xbf16, #tpu.memory_space<vmem_shared>> -> memref<128x64xbf16, #tpu.memory_space<vmem_shared>>
    %dma_start3A_42 = arith.constant 0 : i32
    %dma_start3A_43 = tpu.memref_slice %arg10[%add3A_39, %dma_start3A_42] : memref<10240x64xbf16, #tpu.memory_space<vmem_shared>> -> memref<128x64xbf16, #tpu.memory_space<vmem_shared>>
    tpu.enqueue_dma source(%arg6 : memref<128x64xbf16, #tpu.memory_space<vmem>>) target(%dma_start3A_43 : memref<128x64xbf16, #tpu.memory_space<vmem_shared>>) target_semaphore(%arg15 : memref<!tpu.dma_semaphore, #tpu.memory_space<semaphore_mem>>)
    %mul3A_44 = arith.constant 640 : i32
    %mul3A_45 = arith.muli %arg1, %mul3A_44 : i32
    %add3A_46 = arith.constant 256 : i32
    %add3A_47 = arith.addi %mul3A_45, %add3A_46 : i32
    %dma_start3A_48 = arith.constant 0 : i32
    %dma_start3A_49 = tpu.memref_slice %arg10[%add3A_47, %dma_start3A_48] : memref<10240x64xbf16, #tpu.memory_space<vmem_shared>> -> memref<128x64xbf16, #tpu.memory_space<vmem_shared>>
    %dma_start3A_50 = arith.constant 0 : i32
    %dma_start3A_51 = tpu.memref_slice %arg10[%add3A_47, %dma_start3A_50] : memref<10240x64xbf16, #tpu.memory_space<vmem_shared>> -> memref<128x64xbf16, #tpu.memory_space<vmem_shared>>
    tpu.enqueue_dma source(%arg6 : memref<128x64xbf16, #tpu.memory_space<vmem>>) target(%dma_start3A_51 : memref<128x64xbf16, #tpu.memory_space<vmem_shared>>) target_semaphore(%arg15 : memref<!tpu.dma_semaphore, #tpu.memory_space<semaphore_mem>>)
    %mul3A_52 = arith.constant 640 : i32
    %mul3A_53 = arith.muli %arg1, %mul3A_52 : i32
    %add3A_54 = arith.constant 384 : i32
    %add3A_55 = arith.addi %mul3A_53, %add3A_54 : i32
    %dma_start3A_56 = arith.constant 0 : i32
    %dma_start3A_57 = tpu.memref_slice %arg10[%add3A_55, %dma_start3A_56] : memref<10240x64xbf16, #tpu.memory_space<vmem_shared>> -> memref<128x64xbf16, #tpu.memory_space<vmem_shared>>
    %dma_start3A_58 = arith.constant 0 : i32
    %dma_start3A_59 = tpu.memref_slice %arg10[%add3A_55, %dma_start3A_58] : memref<10240x64xbf16, #tpu.memory_space<vmem_shared>> -> memref<128x64xbf16, #tpu.memory_space<vmem_shared>>
    tpu.enqueue_dma source(%arg6 : memref<128x64xbf16, #tpu.memory_space<vmem>>) target(%dma_start3A_59 : memref<128x64xbf16, #tpu.memory_space<vmem_shared>>) target_semaphore(%arg15 : memref<!tpu.dma_semaphore, #tpu.memory_space<semaphore_mem>>)
    %mul3A_60 = arith.constant 640 : i32
    %mul3A_61 = arith.muli %arg1, %mul3A_60 : i32
    %add3A_62 = arith.constant 512 : i32
    %add3A_63 = arith.addi %mul3A_61, %add3A_62 : i32
    %dma_start3A_64 = arith.constant 0 : i32
    %dma_start3A_65 = tpu.memref_slice %arg10[%add3A_63, %dma_start3A_64] : memref<10240x64xbf16, #tpu.memory_space<vmem_shared>> -> memref<128x64xbf16, #tpu.memory_space<vmem_shared>>
    %dma_start3A_66 = arith.constant 0 : i32
    %dma_start3A_67 = tpu.memref_slice %arg10[%add3A_63, %dma_start3A_66] : memref<10240x64xbf16, #tpu.memory_space<vmem_shared>> -> memref<128x64xbf16, #tpu.memory_space<vmem_shared>>
    tpu.enqueue_dma source(%arg6 : memref<128x64xbf16, #tpu.memory_space<vmem>>) target(%dma_start3A_67 : memref<128x64xbf16, #tpu.memory_space<vmem_shared>>) target_semaphore(%arg15 : memref<!tpu.dma_semaphore, #tpu.memory_space<semaphore_mem>>)
    %mul3A_68 = arith.constant 640 : i32
    %mul3A_69 = arith.muli %arg1, %mul3A_68 : i32
    %add3A_70 = arith.constant 0 : i32
    %add3A_71 = arith.addi %mul3A_69, %add3A_70 : i32
    %dma_wait3A = arith.constant 0 : i32
    %dma_wait3A_72 = tpu.memref_slice %arg10[%add3A_71, %dma_wait3A] : memref<10240x64xbf16, #tpu.memory_space<vmem_shared>> -> memref<128x64xbf16, #tpu.memory_space<vmem_shared>>
    %dma_wait3A_73 = arith.constant 0 : i32
    %dma_wait3A_74 = tpu.memref_slice %arg10[%add3A_71, %dma_wait3A_73] : memref<10240x64xbf16, #tpu.memory_space<vmem_shared>> -> memref<128x64xbf16, #tpu.memory_space<vmem_shared>>
    tpu.wait_dma2 semaphore(%arg15 : memref<!tpu.dma_semaphore, #tpu.memory_space<semaphore_mem>>) src(%arg6 : memref<128x64xbf16, #tpu.memory_space<vmem>>) dst(%dma_wait3A_74 : memref<128x64xbf16, #tpu.memory_space<vmem_shared>>)
    %mul3A_75 = arith.constant 640 : i32
    %mul3A_76 = arith.muli %arg1, %mul3A_75 : i32
    %add3A_77 = arith.constant 128 : i32
    %add3A_78 = arith.addi %mul3A_76, %add3A_77 : i32
    %dma_wait3A_79 = arith.constant 0 : i32
    %dma_wait3A_80 = tpu.memref_slice %arg10[%add3A_78, %dma_wait3A_79] : memref<10240x64xbf16, #tpu.memory_space<vmem_shared>> -> memref<128x64xbf16, #tpu.memory_space<vmem_shared>>
    %dma_wait3A_81 = arith.constant 0 : i32
    %dma_wait3A_82 = tpu.memref_slice %arg10[%add3A_78, %dma_wait3A_81] : memref<10240x64xbf16, #tpu.memory_space<vmem_shared>> -> memref<128x64xbf16, #tpu.memory_space<vmem_shared>>
    tpu.wait_dma2 semaphore(%arg15 : memref<!tpu.dma_semaphore, #tpu.memory_space<semaphore_mem>>) src(%arg6 : memref<128x64xbf16, #tpu.memory_space<vmem>>) dst(%dma_wait3A_82 : memref<128x64xbf16, #tpu.memory_space<vmem_shared>>)
    %mul3A_83 = arith.constant 640 : i32
    %mul3A_84 = arith.muli %arg1, %mul3A_83 : i32
    %add3A_85 = arith.constant 256 : i32
    %add3A_86 = arith.addi %mul3A_84, %add3A_85 : i32
    %dma_wait3A_87 = arith.constant 0 : i32
    %dma_wait3A_88 = tpu.memref_slice %arg10[%add3A_86, %dma_wait3A_87] : memref<10240x64xbf16, #tpu.memory_space<vmem_shared>> -> memref<128x64xbf16, #tpu.memory_space<vmem_shared>>
    %dma_wait3A_89 = arith.constant 0 : i32
    %dma_wait3A_90 = tpu.memref_slice %arg10[%add3A_86, %dma_wait3A_89] : memref<10240x64xbf16, #tpu.memory_space<vmem_shared>> -> memref<128x64xbf16, #tpu.memory_space<vmem_shared>>
    tpu.wait_dma2 semaphore(%arg15 : memref<!tpu.dma_semaphore, #tpu.memory_space<semaphore_mem>>) src(%arg6 : memref<128x64xbf16, #tpu.memory_space<vmem>>) dst(%dma_wait3A_90 : memref<128x64xbf16, #tpu.memory_space<vmem_shared>>)
    %mul3A_91 = arith.constant 640 : i32
    %mul3A_92 = arith.muli %arg1, %mul3A_91 : i32
    %add3A_93 = arith.constant 384 : i32
    %add3A_94 = arith.addi %mul3A_92, %add3A_93 : i32
    %dma_wait3A_95 = arith.constant 0 : i32
    %dma_wait3A_96 = tpu.memref_slice %arg10[%add3A_94, %dma_wait3A_95] : memref<10240x64xbf16, #tpu.memory_space<vmem_shared>> -> memref<128x64xbf16, #tpu.memory_space<vmem_shared>>
    %dma_wait3A_97 = arith.constant 0 : i32
    %dma_wait3A_98 = tpu.memref_slice %arg10[%add3A_94, %dma_wait3A_97] : memref<10240x64xbf16, #tpu.memory_space<vmem_shared>> -> memref<128x64xbf16, #tpu.memory_space<vmem_shared>>
    tpu.wait_dma2 semaphore(%arg15 : memref<!tpu.dma_semaphore, #tpu.memory_space<semaphore_mem>>) src(%arg6 : memref<128x64xbf16, #tpu.memory_space<vmem>>) dst(%dma_wait3A_98 : memref<128x64xbf16, #tpu.memory_space<vmem_shared>>)
    %mul3A_99 = arith.constant 640 : i32
    %mul3A_100 = arith.muli %arg1, %mul3A_99 : i32
    %add3A_101 = arith.constant 512 : i32
    %add3A_102 = arith.addi %mul3A_100, %add3A_101 : i32
    %dma_wait3A_103 = arith.constant 0 : i32
    %dma_wait3A_104 = tpu.memref_slice %arg10[%add3A_102, %dma_wait3A_103] : memref<10240x64xbf16, #tpu.memory_space<vmem_shared>> -> memref<128x64xbf16, #tpu.memory_space<vmem_shared>>
    %dma_wait3A_105 = arith.constant 0 : i32
    %dma_wait3A_106 = tpu.memref_slice %arg10[%add3A_102, %dma_wait3A_105] : memref<10240x64xbf16, #tpu.memory_space<vmem_shared>> -> memref<128x64xbf16, #tpu.memory_space<vmem_shared>>
    tpu.wait_dma2 semaphore(%arg15 : memref<!tpu.dma_semaphore, #tpu.memory_space<semaphore_mem>>) src(%arg6 : memref<128x64xbf16, #tpu.memory_space<vmem>>) dst(%dma_wait3A_106 : memref<128x64xbf16, #tpu.memory_space<vmem_shared>>)
    %dma_wait3A_107 = arith.constant 0 : i32
    %dma_wait3A_108 = tpu.memref_slice %arg11[%mul3A_8, %dma_wait3A_107] : memref<10240x64xbf16, #tpu.memory_space<vmem_shared>> -> memref<640x64xbf16, #tpu.memory_space<vmem_shared>>
    %dma_wait3A_109 = arith.constant 0 : i32
    %dma_wait3A_110 = tpu.memref_slice %arg2[%mul3A_8, %dma_wait3A_109] : memref<10240x64xbf16, #tpu.memory_space<hbm>> -> memref<640x64xbf16, #tpu.memory_space<hbm>>
    tpu.wait_dma2 semaphore(%arg13 : memref<!tpu.dma_semaphore, #tpu.memory_space<semaphore_mem>>) src(%dma_wait3A_110 : memref<640x64xbf16, #tpu.memory_space<hbm>>) dst(%dma_wait3A_108 : memref<640x64xbf16, #tpu.memory_space<vmem_shared>>)
    %dma_wait3A_111 = arith.constant 0 : i32
    %dma_wait3A_112 = arith.constant 0 : i32
    %dma_wait3A_113 = arith.constant 0 : i32
    %dma_wait3A_114 = tpu.memref_slice %arg5[%dma_wait3A_111, %dma_wait3A_112, %dma_wait3A_113] : memref<79x2x128xi32, #tpu.memory_space<vmem>> -> memref<78x2x128xi32, #tpu.memory_space<vmem>>
    %dma_wait3A_115 = arith.constant 0 : i32
    %dma_wait3A_116 = arith.constant 0 : i32
    %dma_wait3A_117 = tpu.memref_slice %arg3[%mul3A_13, %dma_wait3A_115, %dma_wait3A_116] : memref<2500x2x128xi32, #tpu.memory_space<hbm>> -> memref<78x2x128xi32, #tpu.memory_space<hbm>>
    %dma_wait3A_118 = arith.constant 0 : i32
    %dma_wait3A_119 = arith.constant 0 : i32
    %dma_wait3A_120 = arith.constant 0 : i32
    %dma_wait3A_121 = tpu.memref_slice %arg5[%dma_wait3A_118, %dma_wait3A_119, %dma_wait3A_120] : memref<79x2x128xi32, #tpu.memory_space<vmem>> -> memref<78x2x128xi32, #tpu.memory_space<vmem>>
    %dma_wait3A_122 = arith.constant 0 : i32
    %dma_wait3A_123 = arith.constant 0 : i32
    %dma_wait3A_124 = tpu.memref_slice %arg3[%mul3A_13, %dma_wait3A_122, %dma_wait3A_123] : memref<2500x2x128xi32, #tpu.memory_space<hbm>> -> memref<78x2x128xi32, #tpu.memory_space<hbm>>
    tpu.wait_dma2 semaphore(%arg14 : memref<!tpu.dma_semaphore, #tpu.memory_space<semaphore_mem>>) src(%dma_wait3A_124 : memref<78x2x128xi32, #tpu.memory_space<hbm>>) dst(%dma_wait3A_121 : memref<78x2x128xi32, #tpu.memory_space<vmem>>)
    %barrier3A = arith.constant 0 : index
    tpu.barrier barrier_id(%barrier3A)
    %dma_start3A_125 = arith.constant 0 : i32
    %dma_start3A_126 = arith.constant 0 : i32
    %dma_start3A_127 = arith.constant 0 : i32
    %dma_start3A_128 = tpu.memref_slice %arg5[%dma_start3A_125, %dma_start3A_126, %dma_start3A_127] : memref<79x2x128xi32, #tpu.memory_space<vmem>> -> memref<1x1x128xi32, #tpu.memory_space<vmem>>
    %dma_start3A_129 = tpu.memref_squeeze %dma_start3A_128 : memref<1x1x128xi32, #tpu.memory_space<vmem>> -> memref<128xi32, #tpu.memory_space<vmem>>
    %dma_start3A_130 = arith.constant 0 : i32
    %dma_start3A_131 = arith.constant 0 : i32
    %dma_start3A_132 = tpu.memref_slice %arg11[%dma_start3A_130, %dma_start3A_131] : memref<10240x64xbf16, #tpu.memory_space<vmem_shared>> -> memref<10240x64xbf16, #tpu.memory_space<vmem_shared>>
    tpu.enqueue_indirect_dma source(%dma_start3A_132 : memref<10240x64xbf16, #tpu.memory_space<vmem_shared>>) target(%arg6 : memref<128x64xbf16, #tpu.memory_space<vmem>>) offsets(%dma_start3A_129 : memref<128xi32, #tpu.memory_space<vmem>>) semaphore(%arg12 : memref<!tpu.dma_semaphore, #tpu.memory_space<semaphore_mem>>)
    %dma_start3A_133 = arith.constant 1 : i32
    %dma_start3A_134 = arith.constant 0 : i32
    %dma_start3A_135 = arith.constant 0 : i32
    %dma_start3A_136 = tpu.memref_slice %arg5[%dma_start3A_133, %dma_start3A_134, %dma_start3A_135] : memref<79x2x128xi32, #tpu.memory_space<vmem>> -> memref<1x1x128xi32, #tpu.memory_space<vmem>>
    %dma_start3A_137 = tpu.memref_squeeze %dma_start3A_136 : memref<1x1x128xi32, #tpu.memory_space<vmem>> -> memref<128xi32, #tpu.memory_space<vmem>>
    %dma_start3A_138 = arith.constant 0 : i32
    %dma_start3A_139 = arith.constant 0 : i32
    %dma_start3A_140 = tpu.memref_slice %arg11[%dma_start3A_138, %dma_start3A_139] : memref<10240x64xbf16, #tpu.memory_space<vmem_shared>> -> memref<10240x64xbf16, #tpu.memory_space<vmem_shared>>
    tpu.enqueue_indirect_dma source(%dma_start3A_140 : memref<10240x64xbf16, #tpu.memory_space<vmem_shared>>) target(%arg7 : memref<128x64xbf16, #tpu.memory_space<vmem>>) offsets(%dma_start3A_137 : memref<128xi32, #tpu.memory_space<vmem>>) semaphore(%arg13 : memref<!tpu.dma_semaphore, #tpu.memory_space<semaphore_mem>>)
    %scan3A_141 = arith.constant 0 : i32
    %scan3A_142 = arith.constant 0 : i32
    %scan3A_143 = arith.constant 19 : i32
    %scan3A_144 = arith.addi %scan3A_142, %scan3A_143 : i32
    %scan3A_145 = arith.constant 1 : i32
    scf.for %scan3A_218 = %scan3A_142 to %scan3A_144 step %scan3A_145  : i32 {
      %mul3A_219 = arith.constant 4 : i32
      %mul3A_220 = arith.muli %mul3A_219, %scan3A_218 : i32
      %add3A_221 = arith.constant 0 : i32
      %add3A_222 = arith.addi %mul3A_220, %add3A_221 : i32
      %dma_wait3A_223 = arith.constant 0 : i32
      %dma_wait3A_224 = arith.constant 0 : i32
      %dma_wait3A_225 = tpu.memref_slice %arg5[%add3A_222, %dma_wait3A_223, %dma_wait3A_224] : memref<79x2x128xi32, #tpu.memory_space<vmem>> -> memref<1x1x128xi32, #tpu.memory_space<vmem>>
      %dma_wait3A_226 = tpu.memref_squeeze %dma_wait3A_225 : memref<1x1x128xi32, #tpu.memory_space<vmem>> -> memref<128xi32, #tpu.memory_space<vmem>>
      %dma_wait3A_227 = arith.constant 0 : i32
      %dma_wait3A_228 = arith.constant 0 : i32
      %dma_wait3A_229 = tpu.memref_slice %arg11[%dma_wait3A_227, %dma_wait3A_228] : memref<10240x64xbf16, #tpu.memory_space<vmem_shared>> -> memref<10240x64xbf16, #tpu.memory_space<vmem_shared>>
      tpu.wait_indirect_dma semaphore(%arg12 : memref<!tpu.dma_semaphore, #tpu.memory_space<semaphore_mem>>) src(%dma_wait3A_229 : memref<10240x64xbf16, #tpu.memory_space<vmem_shared>>) dst(%arg6 : memref<128x64xbf16, #tpu.memory_space<vmem>>)
      %dma_start3A_230 = arith.constant 1 : i32
      %dma_start3A_231 = arith.constant 0 : i32
      %dma_start3A_232 = tpu.memref_slice %arg5[%add3A_222, %dma_start3A_230, %dma_start3A_231] : memref<79x2x128xi32, #tpu.memory_space<vmem>> -> memref<1x1x128xi32, #tpu.memory_space<vmem>>
      %dma_start3A_233 = tpu.memref_squeeze %dma_start3A_232 : memref<1x1x128xi32, #tpu.memory_space<vmem>> -> memref<128xi32, #tpu.memory_space<vmem>>
      %dma_start3A_234 = arith.constant 0 : i32
      %dma_start3A_235 = arith.constant 0 : i32
      %dma_start3A_236 = tpu.memref_slice %arg10[%dma_start3A_234, %dma_start3A_235] : memref<10240x64xbf16, #tpu.memory_space<vmem_shared>> -> memref<10240x64xbf16, #tpu.memory_space<vmem_shared>>
      tpu.enqueue_indirect_dma source(%arg6 : memref<128x64xbf16, #tpu.memory_space<vmem>>) target(%dma_start3A_236 : memref<10240x64xbf16, #tpu.memory_space<vmem_shared>>) offsets(%dma_start3A_233 : memref<128xi32, #tpu.memory_space<vmem>>) semaphore(%arg16 : memref<!tpu.dma_semaphore, #tpu.memory_space<semaphore_mem>>) {add = true}
      %ge3A = arith.constant 2 : i32
      %ge3A_237 = arith.cmpi sge, %add3A_222, %ge3A : i32
      %convert_element_type3A_238 = arith.extui %ge3A_237 : i1 to i32
      %cond3A_239 = arith.constant 0 : i32
      %cond3A_240 = arith.cmpi ne, %convert_element_type3A_238, %cond3A_239 : i32
      scf.if %cond3A_240 {
        %dma_wait3A_332 = arith.constant 1 : i32
        %dma_wait3A_333 = arith.constant 0 : i32
        %dma_wait3A_334 = tpu.memref_slice %arg5[%add3A_222, %dma_wait3A_332, %dma_wait3A_333] : memref<79x2x128xi32, #tpu.memory_space<vmem>> -> memref<1x1x128xi32, #tpu.memory_space<vmem>>
        %dma_wait3A_335 = tpu.memref_squeeze %dma_wait3A_334 : memref<1x1x128xi32, #tpu.memory_space<vmem>> -> memref<128xi32, #tpu.memory_space<vmem>>
        %dma_wait3A_336 = arith.constant 0 : i32
        %dma_wait3A_337 = arith.constant 0 : i32
        %dma_wait3A_338 = tpu.memref_slice %arg10[%dma_wait3A_336, %dma_wait3A_337] : memref<10240x64xbf16, #tpu.memory_space<vmem_shared>> -> memref<10240x64xbf16, #tpu.memory_space<vmem_shared>>
        tpu.wait_indirect_dma semaphore(%arg18 : memref<!tpu.dma_semaphore, #tpu.memory_space<semaphore_mem>>) src(%arg8 : memref<128x64xbf16, #tpu.memory_space<vmem>>) dst(%dma_wait3A_338 : memref<10240x64xbf16, #tpu.memory_space<vmem_shared>>)
      } else {
      }
      %add3A_241 = arith.constant 2 : i32
      %add3A_242 = arith.addi %add3A_222, %add3A_241 : i32
      %lt3A_243 = arith.constant 78 : i32
      %lt3A_244 = arith.cmpi slt, %add3A_242, %lt3A_243 : i32
      %convert_element_type3A_245 = arith.extui %lt3A_244 : i1 to i32
      %cond3A_246 = arith.constant 0 : i32
      %cond3A_247 = arith.cmpi ne, %convert_element_type3A_245, %cond3A_246 : i32
      scf.if %cond3A_247 {
        %add3A_332 = arith.constant 2 : i32
        %add3A_333 = arith.addi %add3A_222, %add3A_332 : i32
        %dma_start3A_334 = arith.constant 0 : i32
        %dma_start3A_335 = arith.constant 0 : i32
        %dma_start3A_336 = tpu.memref_slice %arg5[%add3A_333, %dma_start3A_334, %dma_start3A_335] : memref<79x2x128xi32, #tpu.memory_space<vmem>> -> memref<1x1x128xi32, #tpu.memory_space<vmem>>
        %dma_start3A_337 = tpu.memref_squeeze %dma_start3A_336 : memref<1x1x128xi32, #tpu.memory_space<vmem>> -> memref<128xi32, #tpu.memory_space<vmem>>
        %dma_start3A_338 = arith.constant 0 : i32
        %dma_start3A_339 = arith.constant 0 : i32
        %dma_start3A_340 = tpu.memref_slice %arg11[%dma_start3A_338, %dma_start3A_339] : memref<10240x64xbf16, #tpu.memory_space<vmem_shared>> -> memref<10240x64xbf16, #tpu.memory_space<vmem_shared>>
        tpu.enqueue_indirect_dma source(%dma_start3A_340 : memref<10240x64xbf16, #tpu.memory_space<vmem_shared>>) target(%arg8 : memref<128x64xbf16, #tpu.memory_space<vmem>>) offsets(%dma_start3A_337 : memref<128xi32, #tpu.memory_space<vmem>>) semaphore(%arg14 : memref<!tpu.dma_semaphore, #tpu.memory_space<semaphore_mem>>)
      } else {
      }
      %add3A_248 = arith.constant 1 : i32
      %add3A_249 = arith.addi %mul3A_220, %add3A_248 : i32
      %dma_wait3A_250 = arith.constant 0 : i32
      %dma_wait3A_251 = arith.constant 0 : i32
      %dma_wait3A_252 = tpu.memref_slice %arg5[%add3A_249, %dma_wait3A_250, %dma_wait3A_251] : memref<79x2x128xi32, #tpu.memory_space<vmem>> -> memref<1x1x128xi32, #tpu.memory_space<vmem>>
      %dma_wait3A_253 = tpu.memref_squeeze %dma_wait3A_252 : memref<1x1x128xi32, #tpu.memory_space<vmem>> -> memref<128xi32, #tpu.memory_space<vmem>>
      %dma_wait3A_254 = arith.constant 0 : i32
      %dma_wait3A_255 = arith.constant 0 : i32
      %dma_wait3A_256 = tpu.memref_slice %arg11[%dma_wait3A_254, %dma_wait3A_255] : memref<10240x64xbf16, #tpu.memory_space<vmem_shared>> -> memref<10240x64xbf16, #tpu.memory_space<vmem_shared>>
      tpu.wait_indirect_dma semaphore(%arg13 : memref<!tpu.dma_semaphore, #tpu.memory_space<semaphore_mem>>) src(%dma_wait3A_256 : memref<10240x64xbf16, #tpu.memory_space<vmem_shared>>) dst(%arg7 : memref<128x64xbf16, #tpu.memory_space<vmem>>)
      %dma_start3A_257 = arith.constant 1 : i32
      %dma_start3A_258 = arith.constant 0 : i32
      %dma_start3A_259 = tpu.memref_slice %arg5[%add3A_249, %dma_start3A_257, %dma_start3A_258] : memref<79x2x128xi32, #tpu.memory_space<vmem>> -> memref<1x1x128xi32, #tpu.memory_space<vmem>>
      %dma_start3A_260 = tpu.memref_squeeze %dma_start3A_259 : memref<1x1x128xi32, #tpu.memory_space<vmem>> -> memref<128xi32, #tpu.memory_space<vmem>>
      %dma_start3A_261 = arith.constant 0 : i32
      %dma_start3A_262 = arith.constant 0 : i32
      %dma_start3A_263 = tpu.memref_slice %arg10[%dma_start3A_261, %dma_start3A_262] : memref<10240x64xbf16, #tpu.memory_space<vmem_shared>> -> memref<10240x64xbf16, #tpu.memory_space<vmem_shared>>
      tpu.enqueue_indirect_dma source(%arg7 : memref<128x64xbf16, #tpu.memory_space<vmem>>) target(%dma_start3A_263 : memref<10240x64xbf16, #tpu.memory_space<vmem_shared>>) offsets(%dma_start3A_260 : memref<128xi32, #tpu.memory_space<vmem>>) semaphore(%arg17 : memref<!tpu.dma_semaphore, #tpu.memory_space<semaphore_mem>>) {add = true}
      %ge3A_264 = arith.constant 2 : i32
      %ge3A_265 = arith.cmpi sge, %add3A_249, %ge3A_264 : i32
      %convert_element_type3A_266 = arith.extui %ge3A_265 : i1 to i32
      %cond3A_267 = arith.constant 0 : i32
      %cond3A_268 = arith.cmpi ne, %convert_element_type3A_266, %cond3A_267 : i32
      scf.if %cond3A_268 {
        %dma_wait3A_332 = arith.constant 1 : i32
        %dma_wait3A_333 = arith.constant 0 : i32
        %dma_wait3A_334 = tpu.memref_slice %arg5[%add3A_249, %dma_wait3A_332, %dma_wait3A_333] : memref<79x2x128xi32, #tpu.memory_space<vmem>> -> memref<1x1x128xi32, #tpu.memory_space<vmem>>
        %dma_wait3A_335 = tpu.memref_squeeze %dma_wait3A_334 : memref<1x1x128xi32, #tpu.memory_space<vmem>> -> memref<128xi32, #tpu.memory_space<vmem>>
        %dma_wait3A_336 = arith.constant 0 : i32
        %dma_wait3A_337 = arith.constant 0 : i32
        %dma_wait3A_338 = tpu.memref_slice %arg10[%dma_wait3A_336, %dma_wait3A_337] : memref<10240x64xbf16, #tpu.memory_space<vmem_shared>> -> memref<10240x64xbf16, #tpu.memory_space<vmem_shared>>
        tpu.wait_indirect_dma semaphore(%arg19 : memref<!tpu.dma_semaphore, #tpu.memory_space<semaphore_mem>>) src(%arg9 : memref<128x64xbf16, #tpu.memory_space<vmem>>) dst(%dma_wait3A_338 : memref<10240x64xbf16, #tpu.memory_space<vmem_shared>>)
      } else {
      }
      %add3A_269 = arith.constant 2 : i32
      %add3A_270 = arith.addi %add3A_249, %add3A_269 : i32
      %lt3A_271 = arith.constant 78 : i32
      %lt3A_272 = arith.cmpi slt, %add3A_270, %lt3A_271 : i32
      %convert_element_type3A_273 = arith.extui %lt3A_272 : i1 to i32
      %cond3A_274 = arith.constant 0 : i32
      %cond3A_275 = arith.cmpi ne, %convert_element_type3A_273, %cond3A_274 : i32
      scf.if %cond3A_275 {
        %add3A_332 = arith.constant 2 : i32
        %add3A_333 = arith.addi %add3A_249, %add3A_332 : i32
        %dma_start3A_334 = arith.constant 0 : i32
        %dma_start3A_335 = arith.constant 0 : i32
        %dma_start3A_336 = tpu.memref_slice %arg5[%add3A_333, %dma_start3A_334, %dma_start3A_335] : memref<79x2x128xi32, #tpu.memory_space<vmem>> -> memref<1x1x128xi32, #tpu.memory_space<vmem>>
        %dma_start3A_337 = tpu.memref_squeeze %dma_start3A_336 : memref<1x1x128xi32, #tpu.memory_space<vmem>> -> memref<128xi32, #tpu.memory_space<vmem>>
        %dma_start3A_338 = arith.constant 0 : i32
        %dma_start3A_339 = arith.constant 0 : i32
        %dma_start3A_340 = tpu.memref_slice %arg11[%dma_start3A_338, %dma_start3A_339] : memref<10240x64xbf16, #tpu.memory_space<vmem_shared>> -> memref<10240x64xbf16, #tpu.memory_space<vmem_shared>>
        tpu.enqueue_indirect_dma source(%dma_start3A_340 : memref<10240x64xbf16, #tpu.memory_space<vmem_shared>>) target(%arg9 : memref<128x64xbf16, #tpu.memory_space<vmem>>) offsets(%dma_start3A_337 : memref<128xi32, #tpu.memory_space<vmem>>) semaphore(%arg15 : memref<!tpu.dma_semaphore, #tpu.memory_space<semaphore_mem>>)
      } else {
      }
      %add3A_276 = arith.constant 2 : i32
      %add3A_277 = arith.addi %mul3A_220, %add3A_276 : i32
      %dma_wait3A_278 = arith.constant 0 : i32
      %dma_wait3A_279 = arith.constant 0 : i32
      %dma_wait3A_280 = tpu.memref_slice %arg5[%add3A_277, %dma_wait3A_278, %dma_wait3A_279] : memref<79x2x128xi32, #tpu.memory_space<vmem>> -> memref<1x1x128xi32, #tpu.memory_space<vmem>>
      %dma_wait3A_281 = tpu.memref_squeeze %dma_wait3A_280 : memref<1x1x128xi32, #tpu.memory_space<vmem>> -> memref<128xi32, #tpu.memory_space<vmem>>
      %dma_wait3A_282 = arith.constant 0 : i32
      %dma_wait3A_283 = arith.constant 0 : i32
      %dma_wait3A_284 = tpu.memref_slice %arg11[%dma_wait3A_282, %dma_wait3A_283] : memref<10240x64xbf16, #tpu.memory_space<vmem_shared>> -> memref<10240x64xbf16, #tpu.memory_space<vmem_shared>>
      tpu.wait_indirect_dma semaphore(%arg14 : memref<!tpu.dma_semaphore, #tpu.memory_space<semaphore_mem>>) src(%dma_wait3A_284 : memref<10240x64xbf16, #tpu.memory_space<vmem_shared>>) dst(%arg8 : memref<128x64xbf16, #tpu.memory_space<vmem>>)
      %dma_start3A_285 = arith.constant 1 : i32
      %dma_start3A_286 = arith.constant 0 : i32
      %dma_start3A_287 = tpu.memref_slice %arg5[%add3A_277, %dma_start3A_285, %dma_start3A_286] : memref<79x2x128xi32, #tpu.memory_space<vmem>> -> memref<1x1x128xi32, #tpu.memory_space<vmem>>
      %dma_start3A_288 = tpu.memref_squeeze %dma_start3A_287 : memref<1x1x128xi32, #tpu.memory_space<vmem>> -> memref<128xi32, #tpu.memory_space<vmem>>
      %dma_start3A_289 = arith.constant 0 : i32
      %dma_start3A_290 = arith.constant 0 : i32
      %dma_start3A_291 = tpu.memref_slice %arg10[%dma_start3A_289, %dma_start3A_290] : memref<10240x64xbf16, #tpu.memory_space<vmem_shared>> -> memref<10240x64xbf16, #tpu.memory_space<vmem_shared>>
      tpu.enqueue_indirect_dma source(%arg8 : memref<128x64xbf16, #tpu.memory_space<vmem>>) target(%dma_start3A_291 : memref<10240x64xbf16, #tpu.memory_space<vmem_shared>>) offsets(%dma_start3A_288 : memref<128xi32, #tpu.memory_space<vmem>>) semaphore(%arg18 : memref<!tpu.dma_semaphore, #tpu.memory_space<semaphore_mem>>) {add = true}
      %ge3A_292 = arith.constant 2 : i32
      %ge3A_293 = arith.cmpi sge, %add3A_277, %ge3A_292 : i32
      %convert_element_type3A_294 = arith.extui %ge3A_293 : i1 to i32
      %cond3A_295 = arith.constant 0 : i32
      %cond3A_296 = arith.cmpi ne, %convert_element_type3A_294, %cond3A_295 : i32
      scf.if %cond3A_296 {
        %dma_wait3A_332 = arith.constant 1 : i32
        %dma_wait3A_333 = arith.constant 0 : i32
        %dma_wait3A_334 = tpu.memref_slice %arg5[%add3A_277, %dma_wait3A_332, %dma_wait3A_333] : memref<79x2x128xi32, #tpu.memory_space<vmem>> -> memref<1x1x128xi32, #tpu.memory_space<vmem>>
        %dma_wait3A_335 = tpu.memref_squeeze %dma_wait3A_334 : memref<1x1x128xi32, #tpu.memory_space<vmem>> -> memref<128xi32, #tpu.memory_space<vmem>>
        %dma_wait3A_336 = arith.constant 0 : i32
        %dma_wait3A_337 = arith.constant 0 : i32
        %dma_wait3A_338 = tpu.memref_slice %arg10[%dma_wait3A_336, %dma_wait3A_337] : memref<10240x64xbf16, #tpu.memory_space<vmem_shared>> -> memref<10240x64xbf16, #tpu.memory_space<vmem_shared>>
        tpu.wait_indirect_dma semaphore(%arg16 : memref<!tpu.dma_semaphore, #tpu.memory_space<semaphore_mem>>) src(%arg6 : memref<128x64xbf16, #tpu.memory_space<vmem>>) dst(%dma_wait3A_338 : memref<10240x64xbf16, #tpu.memory_space<vmem_shared>>)
      } else {
      }
      %add3A_297 = arith.constant 2 : i32
      %add3A_298 = arith.addi %add3A_277, %add3A_297 : i32
      %lt3A_299 = arith.constant 78 : i32
      %lt3A_300 = arith.cmpi slt, %add3A_298, %lt3A_299 : i32
      %convert_element_type3A_301 = arith.extui %lt3A_300 : i1 to i32
      %cond3A_302 = arith.constant 0 : i32
      %cond3A_303 = arith.cmpi ne, %convert_element_type3A_301, %cond3A_302 : i32
      scf.if %cond3A_303 {
        %add3A_332 = arith.constant 2 : i32
        %add3A_333 = arith.addi %add3A_277, %add3A_332 : i32
        %dma_start3A_334 = arith.constant 0 : i32
        %dma_start3A_335 = arith.constant 0 : i32
        %dma_start3A_336 = tpu.memref_slice %arg5[%add3A_333, %dma_start3A_334, %dma_start3A_335] : memref<79x2x128xi32, #tpu.memory_space<vmem>> -> memref<1x1x128xi32, #tpu.memory_space<vmem>>
        %dma_start3A_337 = tpu.memref_squeeze %dma_start3A_336 : memref<1x1x128xi32, #tpu.memory_space<vmem>> -> memref<128xi32, #tpu.memory_space<vmem>>
        %dma_start3A_338 = arith.constant 0 : i32
        %dma_start3A_339 = arith.constant 0 : i32
        %dma_start3A_340 = tpu.memref_slice %arg11[%dma_start3A_338, %dma_start3A_339] : memref<10240x64xbf16, #tpu.memory_space<vmem_shared>> -> memref<10240x64xbf16, #tpu.memory_space<vmem_shared>>
        tpu.enqueue_indirect_dma source(%dma_start3A_340 : memref<10240x64xbf16, #tpu.memory_space<vmem_shared>>) target(%arg6 : memref<128x64xbf16, #tpu.memory_space<vmem>>) offsets(%dma_start3A_337 : memref<128xi32, #tpu.memory_space<vmem>>) semaphore(%arg12 : memref<!tpu.dma_semaphore, #tpu.memory_space<semaphore_mem>>)
      } else {
      }
      %add3A_304 = arith.constant 3 : i32
      %add3A_305 = arith.addi %mul3A_220, %add3A_304 : i32
      %dma_wait3A_306 = arith.constant 0 : i32
      %dma_wait3A_307 = arith.constant 0 : i32
      %dma_wait3A_308 = tpu.memref_slice %arg5[%add3A_305, %dma_wait3A_306, %dma_wait3A_307] : memref<79x2x128xi32, #tpu.memory_space<vmem>> -> memref<1x1x128xi32, #tpu.memory_space<vmem>>
      %dma_wait3A_309 = tpu.memref_squeeze %dma_wait3A_308 : memref<1x1x128xi32, #tpu.memory_space<vmem>> -> memref<128xi32, #tpu.memory_space<vmem>>
      %dma_wait3A_310 = arith.constant 0 : i32
      %dma_wait3A_311 = arith.constant 0 : i32
      %dma_wait3A_312 = tpu.memref_slice %arg11[%dma_wait3A_310, %dma_wait3A_311] : memref<10240x64xbf16, #tpu.memory_space<vmem_shared>> -> memref<10240x64xbf16, #tpu.memory_space<vmem_shared>>
      tpu.wait_indirect_dma semaphore(%arg15 : memref<!tpu.dma_semaphore, #tpu.memory_space<semaphore_mem>>) src(%dma_wait3A_312 : memref<10240x64xbf16, #tpu.memory_space<vmem_shared>>) dst(%arg9 : memref<128x64xbf16, #tpu.memory_space<vmem>>)
      %dma_start3A_313 = arith.constant 1 : i32
      %dma_start3A_314 = arith.constant 0 : i32
      %dma_start3A_315 = tpu.memref_slice %arg5[%add3A_305, %dma_start3A_313, %dma_start3A_314] : memref<79x2x128xi32, #tpu.memory_space<vmem>> -> memref<1x1x128xi32, #tpu.memory_space<vmem>>
      %dma_start3A_316 = tpu.memref_squeeze %dma_start3A_315 : memref<1x1x128xi32, #tpu.memory_space<vmem>> -> memref<128xi32, #tpu.memory_space<vmem>>
      %dma_start3A_317 = arith.constant 0 : i32
      %dma_start3A_318 = arith.constant 0 : i32
      %dma_start3A_319 = tpu.memref_slice %arg10[%dma_start3A_317, %dma_start3A_318] : memref<10240x64xbf16, #tpu.memory_space<vmem_shared>> -> memref<10240x64xbf16, #tpu.memory_space<vmem_shared>>
      tpu.enqueue_indirect_dma source(%arg9 : memref<128x64xbf16, #tpu.memory_space<vmem>>) target(%dma_start3A_319 : memref<10240x64xbf16, #tpu.memory_space<vmem_shared>>) offsets(%dma_start3A_316 : memref<128xi32, #tpu.memory_space<vmem>>) semaphore(%arg19 : memref<!tpu.dma_semaphore, #tpu.memory_space<semaphore_mem>>) {add = true}
      %ge3A_320 = arith.constant 2 : i32
      %ge3A_321 = arith.cmpi sge, %add3A_305, %ge3A_320 : i32
      %convert_element_type3A_322 = arith.extui %ge3A_321 : i1 to i32
      %cond3A_323 = arith.constant 0 : i32
      %cond3A_324 = arith.cmpi ne, %convert_element_type3A_322, %cond3A_323 : i32
      scf.if %cond3A_324 {
        %dma_wait3A_332 = arith.constant 1 : i32
        %dma_wait3A_333 = arith.constant 0 : i32
        %dma_wait3A_334 = tpu.memref_slice %arg5[%add3A_305, %dma_wait3A_332, %dma_wait3A_333] : memref<79x2x128xi32, #tpu.memory_space<vmem>> -> memref<1x1x128xi32, #tpu.memory_space<vmem>>
        %dma_wait3A_335 = tpu.memref_squeeze %dma_wait3A_334 : memref<1x1x128xi32, #tpu.memory_space<vmem>> -> memref<128xi32, #tpu.memory_space<vmem>>
        %dma_wait3A_336 = arith.constant 0 : i32
        %dma_wait3A_337 = arith.constant 0 : i32
        %dma_wait3A_338 = tpu.memref_slice %arg10[%dma_wait3A_336, %dma_wait3A_337] : memref<10240x64xbf16, #tpu.memory_space<vmem_shared>> -> memref<10240x64xbf16, #tpu.memory_space<vmem_shared>>
        tpu.wait_indirect_dma semaphore(%arg17 : memref<!tpu.dma_semaphore, #tpu.memory_space<semaphore_mem>>) src(%arg7 : memref<128x64xbf16, #tpu.memory_space<vmem>>) dst(%dma_wait3A_338 : memref<10240x64xbf16, #tpu.memory_space<vmem_shared>>)
      } else {
      }
      %add3A_325 = arith.constant 2 : i32
      %add3A_326 = arith.addi %add3A_305, %add3A_325 : i32
      %lt3A_327 = arith.constant 78 : i32
      %lt3A_328 = arith.cmpi slt, %add3A_326, %lt3A_327 : i32
      %convert_element_type3A_329 = arith.extui %lt3A_328 : i1 to i32
      %cond3A_330 = arith.constant 0 : i32
      %cond3A_331 = arith.cmpi ne, %convert_element_type3A_329, %cond3A_330 : i32
      scf.if %cond3A_331 {
        %add3A_332 = arith.constant 2 : i32
        %add3A_333 = arith.addi %add3A_305, %add3A_332 : i32
        %dma_start3A_334 = arith.constant 0 : i32
        %dma_start3A_335 = arith.constant 0 : i32
        %dma_start3A_336 = tpu.memref_slice %arg5[%add3A_333, %dma_start3A_334, %dma_start3A_335] : memref<79x2x128xi32, #tpu.memory_space<vmem>> -> memref<1x1x128xi32, #tpu.memory_space<vmem>>
        %dma_start3A_337 = tpu.memref_squeeze %dma_start3A_336 : memref<1x1x128xi32, #tpu.memory_space<vmem>> -> memref<128xi32, #tpu.memory_space<vmem>>
        %dma_start3A_338 = arith.constant 0 : i32
        %dma_start3A_339 = arith.constant 0 : i32
        %dma_start3A_340 = tpu.memref_slice %arg11[%dma_start3A_338, %dma_start3A_339] : memref<10240x64xbf16, #tpu.memory_space<vmem_shared>> -> memref<10240x64xbf16, #tpu.memory_space<vmem_shared>>
        tpu.enqueue_indirect_dma source(%dma_start3A_340 : memref<10240x64xbf16, #tpu.memory_space<vmem_shared>>) target(%arg7 : memref<128x64xbf16, #tpu.memory_space<vmem>>) offsets(%dma_start3A_337 : memref<128xi32, #tpu.memory_space<vmem>>) semaphore(%arg13 : memref<!tpu.dma_semaphore, #tpu.memory_space<semaphore_mem>>)
      } else {
      }
    }
    %scan3A_146 = arith.constant 19 : i32
    %dma_wait3A_147 = arith.constant 76 : i32
    %dma_wait3A_148 = arith.constant 0 : i32
    %dma_wait3A_149 = arith.constant 0 : i32
    %dma_wait3A_150 = tpu.memref_slice %arg5[%dma_wait3A_147, %dma_wait3A_148, %dma_wait3A_149] : memref<79x2x128xi32, #tpu.memory_space<vmem>> -> memref<1x1x128xi32, #tpu.memory_space<vmem>>
    %dma_wait3A_151 = tpu.memref_squeeze %dma_wait3A_150 : memref<1x1x128xi32, #tpu.memory_space<vmem>> -> memref<128xi32, #tpu.memory_space<vmem>>
    %dma_wait3A_152 = arith.constant 0 : i32
    %dma_wait3A_153 = arith.constant 0 : i32
    %dma_wait3A_154 = tpu.memref_slice %arg11[%dma_wait3A_152, %dma_wait3A_153] : memref<10240x64xbf16, #tpu.memory_space<vmem_shared>> -> memref<10240x64xbf16, #tpu.memory_space<vmem_shared>>
    tpu.wait_indirect_dma semaphore(%arg12 : memref<!tpu.dma_semaphore, #tpu.memory_space<semaphore_mem>>) src(%dma_wait3A_154 : memref<10240x64xbf16, #tpu.memory_space<vmem_shared>>) dst(%arg6 : memref<128x64xbf16, #tpu.memory_space<vmem>>)
    %dma_start3A_155 = arith.constant 76 : i32
    %dma_start3A_156 = arith.constant 1 : i32
    %dma_start3A_157 = arith.constant 0 : i32
    %dma_start3A_158 = tpu.memref_slice %arg5[%dma_start3A_155, %dma_start3A_156, %dma_start3A_157] : memref<79x2x128xi32, #tpu.memory_space<vmem>> -> memref<1x1x128xi32, #tpu.memory_space<vmem>>
    %dma_start3A_159 = tpu.memref_squeeze %dma_start3A_158 : memref<1x1x128xi32, #tpu.memory_space<vmem>> -> memref<128xi32, #tpu.memory_space<vmem>>
    %dma_start3A_160 = arith.constant 0 : i32
    %dma_start3A_161 = arith.constant 0 : i32
    %dma_start3A_162 = tpu.memref_slice %arg10[%dma_start3A_160, %dma_start3A_161] : memref<10240x64xbf16, #tpu.memory_space<vmem_shared>> -> memref<10240x64xbf16, #tpu.memory_space<vmem_shared>>
    tpu.enqueue_indirect_dma source(%arg6 : memref<128x64xbf16, #tpu.memory_space<vmem>>) target(%dma_start3A_162 : memref<10240x64xbf16, #tpu.memory_space<vmem_shared>>) offsets(%dma_start3A_159 : memref<128xi32, #tpu.memory_space<vmem>>) semaphore(%arg16 : memref<!tpu.dma_semaphore, #tpu.memory_space<semaphore_mem>>) {add = true}
    %dma_wait3A_163 = arith.constant 77 : i32
    %dma_wait3A_164 = arith.constant 0 : i32
    %dma_wait3A_165 = arith.constant 0 : i32
    %dma_wait3A_166 = tpu.memref_slice %arg5[%dma_wait3A_163, %dma_wait3A_164, %dma_wait3A_165] : memref<79x2x128xi32, #tpu.memory_space<vmem>> -> memref<1x1x128xi32, #tpu.memory_space<vmem>>
    %dma_wait3A_167 = tpu.memref_squeeze %dma_wait3A_166 : memref<1x1x128xi32, #tpu.memory_space<vmem>> -> memref<128xi32, #tpu.memory_space<vmem>>
    %dma_wait3A_168 = arith.constant 0 : i32
    %dma_wait3A_169 = arith.constant 0 : i32
    %dma_wait3A_170 = tpu.memref_slice %arg11[%dma_wait3A_168, %dma_wait3A_169] : memref<10240x64xbf16, #tpu.memory_space<vmem_shared>> -> memref<10240x64xbf16, #tpu.memory_space<vmem_shared>>
    tpu.wait_indirect_dma semaphore(%arg13 : memref<!tpu.dma_semaphore, #tpu.memory_space<semaphore_mem>>) src(%dma_wait3A_170 : memref<10240x64xbf16, #tpu.memory_space<vmem_shared>>) dst(%arg7 : memref<128x64xbf16, #tpu.memory_space<vmem>>)
    %dma_start3A_171 = arith.constant 77 : i32
    %dma_start3A_172 = arith.constant 1 : i32
    %dma_start3A_173 = arith.constant 0 : i32
    %dma_start3A_174 = tpu.memref_slice %arg5[%dma_start3A_171, %dma_start3A_172, %dma_start3A_173] : memref<79x2x128xi32, #tpu.memory_space<vmem>> -> memref<1x1x128xi32, #tpu.memory_space<vmem>>
    %dma_start3A_175 = tpu.memref_squeeze %dma_start3A_174 : memref<1x1x128xi32, #tpu.memory_space<vmem>> -> memref<128xi32, #tpu.memory_space<vmem>>
    %dma_start3A_176 = arith.constant 0 : i32
    %dma_start3A_177 = arith.constant 0 : i32
    %dma_start3A_178 = tpu.memref_slice %arg10[%dma_start3A_176, %dma_start3A_177] : memref<10240x64xbf16, #tpu.memory_space<vmem_shared>> -> memref<10240x64xbf16, #tpu.memory_space<vmem_shared>>
    tpu.enqueue_indirect_dma source(%arg7 : memref<128x64xbf16, #tpu.memory_space<vmem>>) target(%dma_start3A_178 : memref<10240x64xbf16, #tpu.memory_space<vmem_shared>>) offsets(%dma_start3A_175 : memref<128xi32, #tpu.memory_space<vmem>>) semaphore(%arg17 : memref<!tpu.dma_semaphore, #tpu.memory_space<semaphore_mem>>) {add = true}
    %dma_wait3A_179 = arith.constant 0 : i32
    %dma_wait3A_180 = arith.constant 1 : i32
    %dma_wait3A_181 = arith.constant 0 : i32
    %dma_wait3A_182 = tpu.memref_slice %arg5[%dma_wait3A_179, %dma_wait3A_180, %dma_wait3A_181] : memref<79x2x128xi32, #tpu.memory_space<vmem>> -> memref<1x1x128xi32, #tpu.memory_space<vmem>>
    %dma_wait3A_183 = tpu.memref_squeeze %dma_wait3A_182 : memref<1x1x128xi32, #tpu.memory_space<vmem>> -> memref<128xi32, #tpu.memory_space<vmem>>
    %dma_wait3A_184 = arith.constant 0 : i32
    %dma_wait3A_185 = arith.constant 0 : i32
    %dma_wait3A_186 = tpu.memref_slice %arg10[%dma_wait3A_184, %dma_wait3A_185] : memref<10240x64xbf16, #tpu.memory_space<vmem_shared>> -> memref<10240x64xbf16, #tpu.memory_space<vmem_shared>>
    tpu.wait_indirect_dma semaphore(%arg18 : memref<!tpu.dma_semaphore, #tpu.memory_space<semaphore_mem>>) src(%arg8 : memref<128x64xbf16, #tpu.memory_space<vmem>>) dst(%dma_wait3A_186 : memref<10240x64xbf16, #tpu.memory_space<vmem_shared>>)
    %dma_wait3A_187 = arith.constant 0 : i32
    %dma_wait3A_188 = arith.constant 1 : i32
    %dma_wait3A_189 = arith.constant 0 : i32
    %dma_wait3A_190 = tpu.memref_slice %arg5[%dma_wait3A_187, %dma_wait3A_188, %dma_wait3A_189] : memref<79x2x128xi32, #tpu.memory_space<vmem>> -> memref<1x1x128xi32, #tpu.memory_space<vmem>>
    %dma_wait3A_191 = tpu.memref_squeeze %dma_wait3A_190 : memref<1x1x128xi32, #tpu.memory_space<vmem>> -> memref<128xi32, #tpu.memory_space<vmem>>
    %dma_wait3A_192 = arith.constant 0 : i32
    %dma_wait3A_193 = arith.constant 0 : i32
    %dma_wait3A_194 = tpu.memref_slice %arg10[%dma_wait3A_192, %dma_wait3A_193] : memref<10240x64xbf16, #tpu.memory_space<vmem_shared>> -> memref<10240x64xbf16, #tpu.memory_space<vmem_shared>>
    tpu.wait_indirect_dma semaphore(%arg19 : memref<!tpu.dma_semaphore, #tpu.memory_space<semaphore_mem>>) src(%arg9 : memref<128x64xbf16, #tpu.memory_space<vmem>>) dst(%dma_wait3A_194 : memref<10240x64xbf16, #tpu.memory_space<vmem_shared>>)
    %dma_wait3A_195 = arith.constant 0 : i32
    %dma_wait3A_196 = arith.constant 1 : i32
    %dma_wait3A_197 = arith.constant 0 : i32
    %dma_wait3A_198 = tpu.memref_slice %arg5[%dma_wait3A_195, %dma_wait3A_196, %dma_wait3A_197] : memref<79x2x128xi32, #tpu.memory_space<vmem>> -> memref<1x1x128xi32, #tpu.memory_space<vmem>>
    %dma_wait3A_199 = tpu.memref_squeeze %dma_wait3A_198 : memref<1x1x128xi32, #tpu.memory_space<vmem>> -> memref<128xi32, #tpu.memory_space<vmem>>
    %dma_wait3A_200 = arith.constant 0 : i32
    %dma_wait3A_201 = arith.constant 0 : i32
    %dma_wait3A_202 = tpu.memref_slice %arg10[%dma_wait3A_200, %dma_wait3A_201] : memref<10240x64xbf16, #tpu.memory_space<vmem_shared>> -> memref<10240x64xbf16, #tpu.memory_space<vmem_shared>>
    tpu.wait_indirect_dma semaphore(%arg16 : memref<!tpu.dma_semaphore, #tpu.memory_space<semaphore_mem>>) src(%arg6 : memref<128x64xbf16, #tpu.memory_space<vmem>>) dst(%dma_wait3A_202 : memref<10240x64xbf16, #tpu.memory_space<vmem_shared>>)
    %dma_wait3A_203 = arith.constant 0 : i32
    %dma_wait3A_204 = arith.constant 1 : i32
    %dma_wait3A_205 = arith.constant 0 : i32
    %dma_wait3A_206 = tpu.memref_slice %arg5[%dma_wait3A_203, %dma_wait3A_204, %dma_wait3A_205] : memref<79x2x128xi32, #tpu.memory_space<vmem>> -> memref<1x1x128xi32, #tpu.memory_space<vmem>>
    %dma_wait3A_207 = tpu.memref_squeeze %dma_wait3A_206 : memref<1x1x128xi32, #tpu.memory_space<vmem>> -> memref<128xi32, #tpu.memory_space<vmem>>
    %dma_wait3A_208 = arith.constant 0 : i32
    %dma_wait3A_209 = arith.constant 0 : i32
    %dma_wait3A_210 = tpu.memref_slice %arg10[%dma_wait3A_208, %dma_wait3A_209] : memref<10240x64xbf16, #tpu.memory_space<vmem_shared>> -> memref<10240x64xbf16, #tpu.memory_space<vmem_shared>>
    tpu.wait_indirect_dma semaphore(%arg17 : memref<!tpu.dma_semaphore, #tpu.memory_space<semaphore_mem>>) src(%arg7 : memref<128x64xbf16, #tpu.memory_space<vmem>>) dst(%dma_wait3A_210 : memref<10240x64xbf16, #tpu.memory_space<vmem_shared>>)
    %lt3A = arith.constant 4 : i32
    %lt3A_211 = arith.cmpi slt, %add3A, %lt3A : i32
    %convert_element_type3A = arith.extui %lt3A_211 : i1 to i32
    %cond3A = arith.constant 0 : i32
    %cond3A_212 = arith.cmpi ne, %convert_element_type3A, %cond3A : i32
    scf.if %cond3A_212 {
      %add3A_218 = arith.constant 2496 : i32
      %add3A_219 = arith.addi %add3A_218, %add3A : i32
      "tpu.region"() ({
        %run_scoped3A_237 = tpu.sem_alloc : memref<!tpu.dma_semaphore, #tpu.memory_space<semaphore_mem>>
        %dma_start3A_238 = arith.constant 0 : i32
        %dma_start3A_239 = arith.constant 0 : i32
        %dma_start3A_240 = arith.constant 0 : i32
        %dma_start3A_241 = tpu.memref_slice %arg5[%dma_start3A_238, %dma_start3A_239, %dma_start3A_240] : memref<79x2x128xi32, #tpu.memory_space<vmem>> -> memref<1x2x128xi32, #tpu.memory_space<vmem>>
        %dma_start3A_242 = arith.constant 0 : i32
        %dma_start3A_243 = arith.constant 0 : i32
        %dma_start3A_244 = tpu.memref_slice %arg3[%add3A_219, %dma_start3A_242, %dma_start3A_243] : memref<2500x2x128xi32, #tpu.memory_space<hbm>> -> memref<1x2x128xi32, #tpu.memory_space<hbm>>
        %dma_start3A_245 = arith.constant 0 : i32
        %dma_start3A_246 = arith.constant 0 : i32
        %dma_start3A_247 = arith.constant 0 : i32
        %dma_start3A_248 = tpu.memref_slice %arg5[%dma_start3A_245, %dma_start3A_246, %dma_start3A_247] : memref<79x2x128xi32, #tpu.memory_space<vmem>> -> memref<1x2x128xi32, #tpu.memory_space<vmem>>
        %dma_start3A_249 = arith.constant 0 : i32
        %dma_start3A_250 = arith.constant 0 : i32
        %dma_start3A_251 = tpu.memref_slice %arg3[%add3A_219, %dma_start3A_249, %dma_start3A_250] : memref<2500x2x128xi32, #tpu.memory_space<hbm>> -> memref<1x2x128xi32, #tpu.memory_space<hbm>>
        tpu.enqueue_dma source(%dma_start3A_251 : memref<1x2x128xi32, #tpu.memory_space<hbm>>) target(%dma_start3A_248 : memref<1x2x128xi32, #tpu.memory_space<vmem>>) target_semaphore(%run_scoped3A_237 : memref<!tpu.dma_semaphore, #tpu.memory_space<semaphore_mem>>)
        %dma_wait3A_252 = arith.constant 0 : i32
        %dma_wait3A_253 = arith.constant 0 : i32
        %dma_wait3A_254 = arith.constant 0 : i32
        %dma_wait3A_255 = tpu.memref_slice %arg5[%dma_wait3A_252, %dma_wait3A_253, %dma_wait3A_254] : memref<79x2x128xi32, #tpu.memory_space<vmem>> -> memref<1x2x128xi32, #tpu.memory_space<vmem>>
        %dma_wait3A_256 = arith.constant 0 : i32
        %dma_wait3A_257 = arith.constant 0 : i32
        %dma_wait3A_258 = tpu.memref_slice %arg3[%add3A_219, %dma_wait3A_256, %dma_wait3A_257] : memref<2500x2x128xi32, #tpu.memory_space<hbm>> -> memref<1x2x128xi32, #tpu.memory_space<hbm>>
        %dma_wait3A_259 = arith.constant 0 : i32
        %dma_wait3A_260 = arith.constant 0 : i32
        %dma_wait3A_261 = arith.constant 0 : i32
        %dma_wait3A_262 = tpu.memref_slice %arg5[%dma_wait3A_259, %dma_wait3A_260, %dma_wait3A_261] : memref<79x2x128xi32, #tpu.memory_space<vmem>> -> memref<1x2x128xi32, #tpu.memory_space<vmem>>
        %dma_wait3A_263 = arith.constant 0 : i32
        %dma_wait3A_264 = arith.constant 0 : i32
        %dma_wait3A_265 = tpu.memref_slice %arg3[%add3A_219, %dma_wait3A_263, %dma_wait3A_264] : memref<2500x2x128xi32, #tpu.memory_space<hbm>> -> memref<1x2x128xi32, #tpu.memory_space<hbm>>
        tpu.wait_dma2 semaphore(%run_scoped3A_237 : memref<!tpu.dma_semaphore, #tpu.memory_space<semaphore_mem>>) src(%dma_wait3A_265 : memref<1x2x128xi32, #tpu.memory_space<hbm>>) dst(%dma_wait3A_262 : memref<1x2x128xi32, #tpu.memory_space<vmem>>)
        tpu.yield
      }) : () -> ()
      %dma_start3A_220 = arith.constant 0 : i32
      %dma_start3A_221 = arith.constant 0 : i32
      %dma_start3A_222 = arith.constant 0 : i32
      %dma_start3A_223 = tpu.memref_slice %arg5[%dma_start3A_220, %dma_start3A_221, %dma_start3A_222] : memref<79x2x128xi32, #tpu.memory_space<vmem>> -> memref<1x1x128xi32, #tpu.memory_space<vmem>>
      %dma_start3A_224 = tpu.memref_squeeze %dma_start3A_223 : memref<1x1x128xi32, #tpu.memory_space<vmem>> -> memref<128xi32, #tpu.memory_space<vmem>>
      %dma_start3A_225 = arith.constant 0 : i32
      %dma_start3A_226 = arith.constant 0 : i32
      %dma_start3A_227 = tpu.memref_slice %arg11[%dma_start3A_225, %dma_start3A_226] : memref<10240x64xbf16, #tpu.memory_space<vmem_shared>> -> memref<10240x64xbf16, #tpu.memory_space<vmem_shared>>
      tpu.enqueue_indirect_dma source(%dma_start3A_227 : memref<10240x64xbf16, #tpu.memory_space<vmem_shared>>) target(%arg6 : memref<128x64xbf16, #tpu.memory_space<vmem>>) offsets(%dma_start3A_224 : memref<128xi32, #tpu.memory_space<vmem>>) semaphore(%arg12 : memref<!tpu.dma_semaphore, #tpu.memory_space<semaphore_mem>>)
      %dma_wait3A_228 = arith.constant 0 : i32
      %dma_wait3A_229 = arith.constant 0 : i32
      %dma_wait3A_230 = arith.constant 0 : i32
      %dma_wait3A_231 = tpu.memref_slice %arg5[%dma_wait3A_228, %dma_wait3A_229, %dma_wait3A_230] : memref<79x2x128xi32, #tpu.memory_space<vmem>> -> memref<1x1x128xi32, #tpu.memory_space<vmem>>
      %dma_wait3A_232 = tpu.memref_squeeze %dma_wait3A_231 : memref<1x1x128xi32, #tpu.memory_space<vmem>> -> memref<128xi32, #tpu.memory_space<vmem>>
      %dma_wait3A_233 = arith.constant 0 : i32
      %dma_wait3A_234 = arith.constant 0 : i32
      %dma_wait3A_235 = tpu.memref_slice %arg11[%dma_wait3A_233, %dma_wait3A_234] : memref<10240x64xbf16, #tpu.memory_space<vmem_shared>> -> memref<10240x64xbf16, #tpu.memory_space<vmem_shared>>
      tpu.wait_indirect_dma semaphore(%arg12 : memref<!tpu.dma_semaphore, #tpu.memory_space<semaphore_mem>>) src(%dma_wait3A_235 : memref<10240x64xbf16, #tpu.memory_space<vmem_shared>>) dst(%arg6 : memref<128x64xbf16, #tpu.memory_space<vmem>>)
      %run_scoped3A = arith.constant 0 : i32
      %run_scoped3A_236 = arith.constant 1 : i32
      "tpu.region"() ({
        %run_scoped3A_237 = tpu.sem_alloc : memref<!tpu.dma_semaphore, #tpu.memory_space<semaphore_mem>>
        %dma_start3A_238 = arith.constant 0 : i32
        %dma_start3A_239 = tpu.memref_slice %arg5[%run_scoped3A, %run_scoped3A_236, %dma_start3A_238] : memref<79x2x128xi32, #tpu.memory_space<vmem>> -> memref<1x1x128xi32, #tpu.memory_space<vmem>>
        %dma_start3A_240 = tpu.memref_squeeze %dma_start3A_239 : memref<1x1x128xi32, #tpu.memory_space<vmem>> -> memref<128xi32, #tpu.memory_space<vmem>>
        %dma_start3A_241 = arith.constant 0 : i32
        %dma_start3A_242 = arith.constant 0 : i32
        %dma_start3A_243 = tpu.memref_slice %arg10[%dma_start3A_241, %dma_start3A_242] : memref<10240x64xbf16, #tpu.memory_space<vmem_shared>> -> memref<10240x64xbf16, #tpu.memory_space<vmem_shared>>
        tpu.enqueue_indirect_dma source(%arg6 : memref<128x64xbf16, #tpu.memory_space<vmem>>) target(%dma_start3A_243 : memref<10240x64xbf16, #tpu.memory_space<vmem_shared>>) offsets(%dma_start3A_240 : memref<128xi32, #tpu.memory_space<vmem>>) semaphore(%run_scoped3A_237 : memref<!tpu.dma_semaphore, #tpu.memory_space<semaphore_mem>>) {add = true}
        %dma_wait3A_244 = arith.constant 0 : i32
        %dma_wait3A_245 = tpu.memref_slice %arg5[%run_scoped3A, %run_scoped3A_236, %dma_wait3A_244] : memref<79x2x128xi32, #tpu.memory_space<vmem>> -> memref<1x1x128xi32, #tpu.memory_space<vmem>>
        %dma_wait3A_246 = tpu.memref_squeeze %dma_wait3A_245 : memref<1x1x128xi32, #tpu.memory_space<vmem>> -> memref<128xi32, #tpu.memory_space<vmem>>
        %dma_wait3A_247 = arith.constant 0 : i32
        %dma_wait3A_248 = arith.constant 0 : i32
        %dma_wait3A_249 = tpu.memref_slice %arg10[%dma_wait3A_247, %dma_wait3A_248] : memref<10240x64xbf16, #tpu.memory_space<vmem_shared>> -> memref<10240x64xbf16, #tpu.memory_space<vmem_shared>>
        tpu.wait_indirect_dma semaphore(%run_scoped3A_237 : memref<!tpu.dma_semaphore, #tpu.memory_space<semaphore_mem>>) src(%arg6 : memref<128x64xbf16, #tpu.memory_space<vmem>>) dst(%dma_wait3A_249 : memref<10240x64xbf16, #tpu.memory_space<vmem_shared>>)
        tpu.yield
      }) : () -> ()
    } else {
    }
    %barrier3A_213 = arith.constant 0 : index
    tpu.barrier barrier_id(%barrier3A_213)
    %mul3A_214 = arith.constant 640 : i32
    %mul3A_215 = arith.muli %arg1, %mul3A_214 : i32
    %mul3A_216 = arith.constant 640 : i32
    %mul3A_217 = arith.muli %arg1, %mul3A_216 : i32
    "tpu.region"() ({
      %run_scoped3A = tpu.sem_alloc : memref<!tpu.dma_semaphore, #tpu.memory_space<semaphore_mem>>
      %dma_start3A_218 = arith.constant 0 : i32
      %dma_start3A_219 = tpu.memref_slice %arg4[%arg0, %mul3A_217, %dma_start3A_218] : memref<2x10240x64xbf16, #tpu.memory_space<hbm>> -> memref<1x640x64xbf16, #tpu.memory_space<hbm>>
      %dma_start3A_220 = tpu.memref_squeeze %dma_start3A_219 : memref<1x640x64xbf16, #tpu.memory_space<hbm>> -> memref<640x64xbf16, #tpu.memory_space<hbm>>
      %dma_start3A_221 = arith.constant 0 : i32
      %dma_start3A_222 = tpu.memref_slice %arg10[%mul3A_215, %dma_start3A_221] : memref<10240x64xbf16, #tpu.memory_space<vmem_shared>> -> memref<640x64xbf16, #tpu.memory_space<vmem_shared>>
      tpu.enqueue_dma source(%dma_start3A_222 : memref<640x64xbf16, #tpu.memory_space<vmem_shared>>) target(%dma_start3A_220 : memref<640x64xbf16, #tpu.memory_space<hbm>>) target_semaphore(%run_scoped3A : memref<!tpu.dma_semaphore, #tpu.memory_space<semaphore_mem>>)
      %dma_wait3A_223 = arith.constant 0 : i32
      %dma_wait3A_224 = tpu.memref_slice %arg4[%arg0, %mul3A_217, %dma_wait3A_223] : memref<2x10240x64xbf16, #tpu.memory_space<hbm>> -> memref<1x640x64xbf16, #tpu.memory_space<hbm>>
      %dma_wait3A_225 = tpu.memref_squeeze %dma_wait3A_224 : memref<1x640x64xbf16, #tpu.memory_space<hbm>> -> memref<640x64xbf16, #tpu.memory_space<hbm>>
      %dma_wait3A_226 = arith.constant 0 : i32
      %dma_wait3A_227 = tpu.memref_slice %arg10[%mul3A_215, %dma_wait3A_226] : memref<10240x64xbf16, #tpu.memory_space<vmem_shared>> -> memref<640x64xbf16, #tpu.memory_space<vmem_shared>>
      tpu.wait_dma2 semaphore(%run_scoped3A : memref<!tpu.dma_semaphore, #tpu.memory_space<semaphore_mem>>) src(%dma_wait3A_227 : memref<640x64xbf16, #tpu.memory_space<vmem_shared>>) dst(%dma_wait3A_225 : memref<640x64xbf16, #tpu.memory_space<hbm>>)
      tpu.yield
    }) : () -> ()
    return
  }
}

module attributes {stable_mosaic.version = 14 : i64} {
  func.func @_mlp_body(%arg0: i32, %arg1: memref<2000x128xf32, #tpu.memory_space<vmem>>, %arg2: memref<128x256xf32, #tpu.memory_space<vmem>>, %arg3: memref<1x256xf32, #tpu.memory_space<vmem>>, %arg4: memref<256x64xf32, #tpu.memory_space<vmem>>, %arg5: memref<1x64xf32, #tpu.memory_space<vmem>>, %arg6: memref<2000x64xf32, #tpu.memory_space<vmem>>, %arg7: memref<2000x64xbf16, #tpu.memory_space<vmem>>) attributes {dimension_semantics = [#tpu.dimension_semantics<arbitrary>], iteration_bounds = array<i64: 5>, scalar_prefetch = 0 : i64, scratch_operands = 0 : i64, tpu.core_type = #tpu.core_type<tc>, window_params = [{transform_indices = @transform_0, window_bounds = array<i64: 2000, 128>}, {pipeline_mode = #tpu.pipeline_mode<synchronous>, transform_indices = @transform_1, window_bounds = array<i64: 128, 256>}, {pipeline_mode = #tpu.pipeline_mode<synchronous>, transform_indices = @transform_2, window_bounds = array<i64: 1, 256>}, {pipeline_mode = #tpu.pipeline_mode<synchronous>, transform_indices = @transform_3, window_bounds = array<i64: 256, 64>}, {pipeline_mode = #tpu.pipeline_mode<synchronous>, transform_indices = @transform_4, window_bounds = array<i64: 1, 64>}, {transform_indices = @transform_5, window_bounds = array<i64: 2000, 64>}, {transform_indices = @transform_6, window_bounds = array<i64: 2000, 64>}]} {
    %get3A = arith.constant 0 : index
    %get3A_0 = arith.constant 0 : index
    %get3A_1 = vector.load %arg1[%get3A, %get3A_0] : memref<2000x128xf32, #tpu.memory_space<vmem>>, vector<2000x128xf32>
    %get3A_2 = arith.constant 0 : index
    %get3A_3 = arith.constant 0 : index
    %get3A_4 = vector.load %arg2[%get3A_2, %get3A_3] : memref<128x256xf32, #tpu.memory_space<vmem>>, vector<128x256xf32>
    %dot_general3A = arith.constant dense<0.000000e+00> : vector<2000x256xf32>
    %dot_general3A_5 = tpu.matmul %get3A_1, %get3A_4, %dot_general3A {dimension_numbers = #tpu.dot_dimension_numbers<[1], [0], [0], [1], [0, 0, 1, 1], [], []>, transpose_lhs_hint = false} : vector<2000x128xf32>, vector<128x256xf32>, vector<2000x256xf32> -> vector<2000x256xf32>
    %get3A_6 = arith.constant 0 : index
    %get3A_7 = arith.constant 0 : index
    %get3A_8 = vector.load %arg3[%get3A_6, %get3A_7] : memref<1x256xf32, #tpu.memory_space<vmem>>, vector<1x256xf32>
    %add3A = vector.broadcast %get3A_8 : vector<1x256xf32> to vector<2000x256xf32>
    %add3A_9 = arith.addf %dot_general3A_5, %add3A : vector<2000x256xf32>
    %max3A = arith.constant 0.000000e+00 : f32
    %max3A_10 = vector.broadcast %max3A : f32 to vector<2000x256xf32>
    %max3A_11 = arith.maximumf %add3A_9, %max3A_10 : vector<2000x256xf32>
    %get3A_12 = arith.constant 0 : index
    %get3A_13 = arith.constant 0 : index
    %get3A_14 = vector.load %arg4[%get3A_12, %get3A_13] : memref<256x64xf32, #tpu.memory_space<vmem>>, vector<256x64xf32>
    %dot_general3A_15 = arith.constant dense<0.000000e+00> : vector<2000x64xf32>
    %dot_general3A_16 = tpu.matmul %max3A_11, %get3A_14, %dot_general3A_15 {dimension_numbers = #tpu.dot_dimension_numbers<[1], [0], [0], [1], [0, 0, 1, 1], [], []>, transpose_lhs_hint = false} : vector<2000x256xf32>, vector<256x64xf32>, vector<2000x64xf32> -> vector<2000x64xf32>
    %get3A_17 = arith.constant 0 : index
    %get3A_18 = arith.constant 0 : index
    %get3A_19 = vector.load %arg5[%get3A_17, %get3A_18] : memref<1x64xf32, #tpu.memory_space<vmem>>, vector<1x64xf32>
    %add3A_20 = vector.broadcast %get3A_19 : vector<1x64xf32> to vector<2000x64xf32>
    %add3A_21 = arith.addf %dot_general3A_16, %add3A_20 : vector<2000x64xf32>
    %swap3A = arith.constant 0 : index
    %swap3A_22 = arith.constant 0 : index
    %swap3A_23 = vector.load %arg6[%swap3A, %swap3A_22] : memref<2000x64xf32, #tpu.memory_space<vmem>>, vector<2000x64xf32>
    tpu.vector_store %arg6[%swap3A, %swap3A_22], %add3A_21 {strides = array<i32>} : memref<2000x64xf32, #tpu.memory_space<vmem>>, vector<2000x64xf32>,
    %convert_element_type3A = arith.truncf %add3A_21 : vector<2000x64xf32> to vector<2000x64xbf16>
    %swap3A_24 = arith.constant 0 : index
    %swap3A_25 = arith.constant 0 : index
    %swap3A_26 = vector.load %arg7[%swap3A_24, %swap3A_25] : memref<2000x64xbf16, #tpu.memory_space<vmem>>, vector<2000x64xbf16>
    tpu.vector_store %arg7[%swap3A_24, %swap3A_25], %convert_element_type3A {strides = array<i32>} : memref<2000x64xbf16, #tpu.memory_space<vmem>>, vector<2000x64xbf16>,
    return
  }
  func.func @transform_0(%arg0: i32) -> (i32, i32) {
    %c0_i32 = arith.constant 0 : i32
    %c0_i32_0 = arith.constant 0 : i32
    return %arg0, %c0_i32 : i32, i32
  }
  func.func @transform_1(%arg0: i32) -> (i32, i32) {
    %c0_i32 = arith.constant 0 : i32
    %c0_i32_0 = arith.constant 0 : i32
    %c0_i32_1 = arith.constant 0 : i32
    return %c0_i32, %c0_i32_0 : i32, i32
  }
  func.func @transform_2(%arg0: i32) -> (i32, i32) {
    %c0_i32 = arith.constant 0 : i32
    %c0_i32_0 = arith.constant 0 : i32
    %c0_i32_1 = arith.constant 0 : i32
    return %c0_i32, %c0_i32_0 : i32, i32
  }
  func.func @transform_3(%arg0: i32) -> (i32, i32) {
    %c0_i32 = arith.constant 0 : i32
    %c0_i32_0 = arith.constant 0 : i32
    %c0_i32_1 = arith.constant 0 : i32
    return %c0_i32, %c0_i32_0 : i32, i32
  }
  func.func @transform_4(%arg0: i32) -> (i32, i32) {
    %c0_i32 = arith.constant 0 : i32
    %c0_i32_0 = arith.constant 0 : i32
    %c0_i32_1 = arith.constant 0 : i32
    return %c0_i32, %c0_i32_0 : i32, i32
  }
  func.func @transform_5(%arg0: i32) -> (i32, i32) {
    %c0_i32 = arith.constant 0 : i32
    %c0_i32_0 = arith.constant 0 : i32
    return %arg0, %c0_i32 : i32, i32
  }
  func.func @transform_6(%arg0: i32) -> (i32, i32) {
    %c0_i32 = arith.constant 0 : i32
    %c0_i32_0 = arith.constant 0 : i32
    return %arg0, %c0_i32 : i32, i32
  }
}

module attributes {stable_mosaic.version = 14 : i64} {
  func.func @_concat_body(%arg0: i32, %arg1: memref<2000x64xf32, #tpu.memory_space<vmem>>, %arg2: memref<2x2000x64xbf16, #tpu.memory_space<vmem>>, %arg3: memref<2000x128xf32, #tpu.memory_space<vmem>>) attributes {dimension_semantics = [#tpu.dimension_semantics<arbitrary>], iteration_bounds = array<i64: 5>, scalar_prefetch = 0 : i64, scratch_operands = 0 : i64, tpu.core_type = #tpu.core_type<tc>, window_params = [{transform_indices = @transform_0, window_bounds = array<i64: 2000, 64>}, {transform_indices = @transform_1, window_bounds = array<i64: 2, 2000, 64>}, {transform_indices = @transform_2, window_bounds = array<i64: 2000, 128>}]} {
    %get3A = arith.constant 0 : index
    %get3A_0 = arith.constant 0 : index
    %get3A_1 = vector.load %arg1[%get3A, %get3A_0] : memref<2000x64xf32, #tpu.memory_space<vmem>>, vector<2000x64xf32>
    %swap3A = arith.constant 0 : index
    %swap3A_2 = arith.constant 0 : index
    %swap3A_3 = vector.load %arg3[%swap3A, %swap3A_2] : memref<2000x128xf32, #tpu.memory_space<vmem>>, vector<2000x64xf32>
    tpu.vector_store %arg3[%swap3A, %swap3A_2], %get3A_1 {strides = array<i32>} : memref<2000x128xf32, #tpu.memory_space<vmem>>, vector<2000x64xf32>,
    %get3A_4 = arith.constant 0 : index
    %get3A_5 = arith.constant 0 : index
    %get3A_6 = arith.constant 0 : index
    %get3A_7 = vector.load %arg2[%get3A_4, %get3A_5, %get3A_6] : memref<2x2000x64xbf16, #tpu.memory_space<vmem>>, vector<1x2000x64xbf16>
    %get3A_8 = vector.shape_cast %get3A_7 : vector<1x2000x64xbf16> to vector<2000x64xbf16>
    %convert_element_type3A = arith.extf %get3A_8 : vector<2000x64xbf16> to vector<2000x64xf32>
    %get3A_9 = arith.constant 1 : index
    %get3A_10 = arith.constant 0 : index
    %get3A_11 = arith.constant 0 : index
    %get3A_12 = vector.load %arg2[%get3A_9, %get3A_10, %get3A_11] : memref<2x2000x64xbf16, #tpu.memory_space<vmem>>, vector<1x2000x64xbf16>
    %get3A_13 = vector.shape_cast %get3A_12 : vector<1x2000x64xbf16> to vector<2000x64xbf16>
    %convert_element_type3A_14 = arith.extf %get3A_13 : vector<2000x64xbf16> to vector<2000x64xf32>
    %add3A = arith.addf %convert_element_type3A, %convert_element_type3A_14 : vector<2000x64xf32>
    %swap3A_15 = arith.constant 0 : index
    %swap3A_16 = arith.constant 64 : index
    %swap3A_17 = vector.load %arg3[%swap3A_15, %swap3A_16] : memref<2000x128xf32, #tpu.memory_space<vmem>>, vector<2000x64xf32>
    tpu.vector_store %arg3[%swap3A_15, %swap3A_16], %add3A {strides = array<i32>} : memref<2000x128xf32, #tpu.memory_space<vmem>>, vector<2000x64xf32>,
    return
  }
  func.func @transform_0(%arg0: i32) -> (i32, i32) {
    %c0_i32 = arith.constant 0 : i32
    %c0_i32_0 = arith.constant 0 : i32
    return %arg0, %c0_i32 : i32, i32
  }
  func.func @transform_1(%arg0: i32) -> (i32, i32, i32) {
    %c0_i32 = arith.constant 0 : i32
    %c0_i32_0 = arith.constant 0 : i32
    %c0_i32_1 = arith.constant 0 : i32
    return %c0_i32, %arg0, %c0_i32_0 : i32, i32, i32
  }
  func.func @transform_2(%arg0: i32) -> (i32, i32) {
    %c0_i32 = arith.constant 0 : i32
    %c0_i32_0 = arith.constant 0 : i32
    return %arg0, %c0_i32 : i32, i32
  }
}

</mosaic_0001>

<sc_bundles>
// kernel: kernel.5.cloned.1.call-start
scs
__scs_entry_jumppad:
0x0: {  	(pc) =	sbr.rel $0x88, $3  }
0x1: {  	(tag) =	ssettag $0x0;
	lr =	simm.s32 $0x1  }
0x2: {  	[smem:$0x3F9B] =	sst lr;
	_ =	strace $0xD0000000  }
0x3: {  	_ = 	snop  }
0x4: {  	_ = 	snop  }
0x5: {  	_ = 	snop  }
0x6: {  	_ = 	snop  }
0x7: {  	_ = 	snop  }
__scs_overlays_trampoline_lowered:
0x8: {  	[smem:$0x3FAA] =	sst s0  }
0x9: {  	[smem:$0x3FAB] =	sst s1  }
0xa: {  	[smem:$0x3FAC] =	sst s2  }
0xb: {  	[smem:$0x3FAD] =	sst s3  }
0xc: {  	[smem:$0x3FAE] =	sst s4  }
0xd: {  	[smem:$0x3FAF] =	sst s5  }
0xe: {  	[smem:$0x3FB0] =	sst s6  }
0xf: {  	[smem:$0x3FB1] =	sst s7  }
0x10: {  	[smem:$0x3FB2] =	sst s8  }
0x11: {  	[smem:$0x3FB3] =	sst s9;
	s0 =	simm.s32 @!p0 $0x0  }
0x12: {  	s1 =	sld [smem:$0x3F99];
	s0 =	simm.s32 @p0 $0x1  }
0x13: {  	[smem:$0x3FB4] =	sst s0;
	s0 =	simm.s32 @!p1 $0x0  }
0x14: {  	s2 =	sld [smem:$0x3F98];
	s0 =	simm.s32 @p1 $0x1  }
0x15: {  	[smem:$0x3FB5] =	sst s0;
	s0 =	simm.s32 @!p2 $0x0  }
0x16: {  	s3 =	sld [smem:$0x3FDB];
	s0 =	simm.s32 @p2 $0x1  }
0x17: {  	s4 =	simm.s32 $0x1BF5;
	[smem:$0x3FB7] =	sst s0  }
0x18: {  	s0 =	sld [smem:$0x3F9A];
	_ =	swait.ge [sflag:s4], $0x0  }
0x19: {  	s7 =	sld [smem:$0x3F9B]  }
0x1a: {  	s8 =	sadd.s32 $0xFFFFE003, lr  }
0x1b: {  	s9 =	sadd.s32 $0xFFFFFEF7, lr;
	s5 =	simm.s32 $0xFFFFFFFF;
	p2 =	slt.u32 s8, $0xFFFFF086  }
0x1c: {  	p1 =	slt.u32 s9, $0xF7A;
	s5 =	simm.s32 @!p2 $0x0  }
0x1d: {  	s5 =	simm.s32 @p1 $0x1;
	p0 =	seq.s32 s7, s2  }
0x1e: {  	s7 =	smul.u32 @!p0 $0xF7A, s2;
	p2 =	seq.s32 @!p0 s5, $0x0  }
0x1f: {  	s9 =	smul.u32 $0xF7A, s1;
	s8 =	simm.s32 @!p0 $0x1BF5;
	p2 =	por !p2, p0  }
0x20: {  	[sflag:s8] =	ssyncset.s32 @!p0 $0xFFFFF086;
	s6 =	sadd.s32 @!p0 s3, s7;
	s7 =	simm.s32 @!p0 $0x108  }
0x21: {  	s3 =	sadd.s32 s3, s9;
	s6 =	sadd.s32 @!p0 $0x88, s6;
	s7 =	simm.s32 @p2 $0x1082  }
0x22: {  	[simem:s7], [sflag:s8] =	dma.local @!p0 [hbm:s6], $0xF7A  }
0x23: {  	s9 =	sor.u32 $0xD0000000, s2;
	s6 =	simm.s32 $0x108;
	_ =	swait.ge @!p0 [sflag:s8], $0x0  }
0x24: {  	s3 =	sadd.s32 $0x88, s3;
	s6 =	simm.s32 @!p1 $0x1082;
	[sflag:s4] =	ssyncset.s32 $0xFFFFF086  }
0x25: {  	[simem:s6], [sflag:s4] =	dma.local [hbm:s3], $0xF7A  }
0x26: {  	[smem:$0x3F9B] =	sst s1;
	(tag) =	ssettag s2;
	_ =	strace s9  }
0x27: {  	s1 =	sld [smem:$0x3FAB]  }
0x28: {  	s2 =	sld [smem:$0x3FAC]  }
0x29: {  	s4 =	sld [smem:$0x3FAE]  }
0x2a: {  	p0 =	seq.s32 s5, $0x0;
	s5 =	sld [smem:$0x3FAF]  }
0x2b: {  	s6 =	sld [smem:$0x3FB0]  }
0x2c: {  	s7 =	sld [smem:$0x3FB1]  }
0x2d: {  	s3 =	simm.s32 $0x108;
	s8 =	sld [smem:$0x3FB2]  }
0x2e: {  	s3 =	simm.s32 @!p0 $0x1082;
	s9 =	sld [smem:$0x3FB3]  }
0x2f: {  	lr =	sadd.s32 s0, s3;
	s0 =	sld [smem:$0x3FAA]  }
0x30: {  	s3 =	sld [smem:$0x3FAD]  }
0x31: {  	[smem:$0x3FB6] =	sst s10  }
0x32: {  	s10 =	sld [smem:$0x3FB4];
	_ =	sdelay $0x3  }
0x33: {  	p0 =	seq.s32 s10, $0x1;
	s10 =	sld [smem:$0x3FB6];
	_ =	sdelay $0x3  }
0x34: {  	[smem:$0x3FB6] =	sst s10  }
0x35: {  	s10 =	sld [smem:$0x3FB5];
	_ =	sdelay $0x3  }
0x36: {  	p1 =	seq.s32 s10, $0x1;
	s10 =	sld [smem:$0x3FB6];
	_ =	sdelay $0x3  }
0x37: {  	[smem:$0x3FB6] =	sst s10  }
0x38: {  	s10 =	sld [smem:$0x3FB7]  }
0x39: {  	_ = 	snop;
	(pc) =	sbr.ind lr, $3  }
0x3a: {  	_ = 	snop  }
0x3b: {  	_ = 	snop  }
0x3c: {  	p2 =	seq.s32 s10, $0x1;
	s10 =	sld [smem:$0x3FB6]  }
0x3d: {  	_ =	shalt  }
0x3e: {  	_ =	shalt  }
0x3f: {  	_ =	shalt  }
0x40: {  	_ =	shalt  }
0x41: {  	_ =	shalt  }
0x42: {  	_ =	shalt  }
0x43: {  	_ =	shalt  }
0x44: {  	_ =	shalt  }
0x45: {  	_ =	shalt  }
0x46: {  	_ =	shalt  }
0x47: {  	_ =	shalt  }
0x48: {  	_ =	shalt  }
0x49: {  	_ =	shalt  }
0x4a: {  	_ =	shalt  }
0x4b: {  	_ =	shalt  }
0x4c: {  	_ =	shalt  }
0x4d: {  	_ =	shalt  }
0x4e: {  	_ =	shalt  }
0x4f: {  	_ =	shalt  }
0x50: {  	_ =	shalt  }
0x51: {  	_ =	shalt  }
0x52: {  	_ =	shalt  }
0x53: {  	_ =	shalt  }
0x54: {  	_ =	shalt  }
0x55: {  	_ =	shalt  }
0x56: {  	_ =	shalt  }
0x57: {  	_ =	shalt  }
0x58: {  	_ =	shalt  }
0x59: {  	_ =	shalt  }
0x5a: {  	_ =	shalt  }
0x5b: {  	_ =	shalt  }
0x5c: {  	_ =	shalt  }
0x5d: {  	_ =	shalt  }
0x5e: {  	_ =	shalt  }
0x5f: {  	_ =	shalt  }
0x60: {  	_ =	shalt  }
0x61: {  	_ =	shalt  }
0x62: {  	_ =	shalt  }
0x63: {  	_ =	shalt  }
0x64: {  	_ =	shalt  }
0x65: {  	_ =	shalt  }
0x66: {  	_ =	shalt  }
0x67: {  	_ =	shalt  }
0x68: {  	_ =	shalt  }
0x69: {  	_ =	shalt  }
0x6a: {  	_ =	shalt  }
0x6b: {  	_ =	shalt  }
0x6c: {  	_ =	shalt  }
0x6d: {  	_ =	shalt  }
0x6e: {  	_ =	shalt  }
0x6f: {  	_ =	shalt  }
0x70: {  	_ =	shalt  }
0x71: {  	_ =	shalt  }
0x72: {  	_ =	shalt  }
0x73: {  	_ =	shalt  }
0x74: {  	_ =	shalt  }
0x75: {  	_ =	shalt  }
0x76: {  	_ =	shalt  }
0x77: {  	_ =	shalt  }
0x78: {  	_ =	shalt  }
0x79: {  	_ =	shalt  }
0x7a: {  	_ =	shalt  }
0x7b: {  	_ =	shalt  }
0x7c: {  	_ =	shalt  }
0x7d: {  	_ =	shalt  }
0x7e: {  	_ =	shalt  }
0x7f: {  	_ =	shalt  }
0x80: {  	_ =	shalt  }
0x81: {  	_ =	shalt  }
0x82: {  	_ =	shalt  }
0x83: {  	_ =	shalt  }
0x84: {  	_ =	shalt  }
0x85: {  	_ =	shalt  }
0x86: {  	_ =	shalt  }
0x87: {  	_ =	shalt  }
.Lfunc_end0:
.L_simem_size_0:
called_computation_lowered:
.L_overlay_start_0:
0x88: {  	s2 =	sld [smem:$0x3FD9]  }
0x89: {  	s3 =	sld [smem:$0x3FFE];
	_ =	sdelay $0x1  }
0x8a: {  	s1 =	srdreg.scid  }
0x8b: {  	s0 =	sand.u32 $0x1, s1  }
0x8c: {  	s17 =	sshll.u32 s0, $0xA;
	s2 =	sadd.s32 s3, s2  }
0x8d: {  	s2 =	sadd.s32 s2, s17  }
0x8e: {  	[smem:$0x3FC2] =	sst s2  }
0x8f: {  	_ = 	snop  }
0x90: {  	s2 =	sld [smem:$0x3FC8]  }
0x91: {  	s18 =	sld [smem:$0x3FD0];
	(tm) =	ssettm $0x1  }
0x92: {  	s4 =	sld [smem:$0x3FFB];
	_ =	sdelay $0x3  }
0x93: {  	_ =	strace s4  }
0x94: {  	s4 =	sld [smem:$0x3FFC];
	_ =	sdelay $0x3  }
0x95: {  	_ =	strace s4  }
0x96: {  	s4 =	sld [smem:$0x3FFD];
	_ =	sdelay $0x3  }
0x97: {  	_ =	strace s4  }
0x98: {  	_ =	strace $0x8FFFFFFF  }
0x99: {  	s19 =	sld [smem:$0x3FDB];
	_ =	sdelay $0x1  }
0x9a: {  	s5 =	simm.s32 $_scs_section_size  }
0x9b: {  	s6 =	simm.s32 $_size__tile_overlayer_lowered;
	s7 =	simm.s32 $_tile_overlayer_lowered  }
0x9c: {  	s22 =	simm.s32 $0x1BFF;
	s21 =	sshll.u32 s7, $0x1;
	s4 =	sadd.s32 s5, s19  }
0x9d: {  	s8 =	simm.s32 $0x0;
	s20 =	sshll.u32 s6, $0x1;
	s6 =	sadd.s32 s21, s4  }
0x9e: {  	[timem:s8], [sflag:s22] =	dma.local [hbm:s6], s20  }
0x9f: {  	_ =	swait.ge [sflag:s22], s20  }
0xa0: {  	s5 =	ssub.s32 $0x0, s20;
	[sflag:s22] =	ssyncset.done $0x0  }
0xa1: {  	[sflag:s22] =	ssyncadd.s32 s5;
	_ =	sdelay $0x1  }
0xa2: {  	s23 =	simm.s32 $0x1B8B  }
0xa3: {  	_ =	swait.ge [sflag:s23], $0x1  }
0xa4: {  	[sflag:s23] =	ssyncset.done $0x0  }
0xa5: {  	s25 =	simm.s32 $0x1B8E;
	s24 =	sld [smem:$0x3FFE];
	[sflag:s23] =	ssyncadd.s32 $0xFFFFFFFF  }
0xa6: {  	s26 =	simm.s32 $execute0_lowered;
	[smem:$0x3FD2] =	sst s25  }
0xa7: {  	s6 =	sshll.u32 s26, $0x1;
	_ =	strace $0x80000046;
	[dreg:$0x1] =	wrdreg $0xFFFFFFFF  }
0xa8: {  	s28 =	simm.s32 $_size_execute0_lowered;
	s4 =	sadd.s32 s4, s6;
	[dreg:$0x0] =	wrdreg $0x0  }
0xa9: {  	s6 =	sshll.u32 s28, $0x1;
	[dreg:$0x2] =	wrdreg s4  }
0xaa: {  	[dreg:$0x3] =	wrdreg s6  }
0xab: {  	[dreg:$0x4] =	wrdreg $0xC0  }
0xac: {  	_ =	task [dreg:s8], $0x5FFFF  }
0xad: {  	[dreg:$0x1] =	wrdreg $0xFFFFFFFF  }
0xae: {  	[dreg:$0x0] =	wrdreg $0x60  }
0xaf: {  	[dreg:$0x2] =	wrdreg s24  }
0xb0: {  	[dreg:$0x3] =	wrdreg s2  }
0xb1: {  	[dreg:$0x4] =	wrdreg s18  }
0xb2: {  	[dreg:$0x5] =	wrdreg $0xDF000  }
0xb3: {  	[dreg:$0x6] =	wrdreg $0x8F000  }
0xb4: {  	[dreg:$0x7] =	wrdreg $0x9  }
0xb5: {  	_ =	task.clear_ibuf [dreg:s8], $0x8FFFF;
	_ =	strace $0x90000046  }
0xb6: {  	s29 =	simm.s32 $0x9;
	_ =	strace $0x80000048  }
0xb7: {  	_ =	swait.ge [sflag:s29], $0x1  }
0xb8: {  	[sflag:s29] =	ssyncadd.s32 $0xFFFFFFFF  }
0xb9: {  	_ =	strace $0x90000048  }
0xba: {  	_ =	sfence  }
0xbb: {  	s30 =	sld [smem:$0x0];
	_ =	sdelay $0x2  }
0xbc: {  	s31 =	sshll.u32 s1, $0xD;
	s1 =	sshrl.u32 s1, $0x2  }
0xbd: {  	s3 =	sand.u32 $0x4000, s31;
	s1 =	sadd.s32 s1, s30  }
0xbe: {  	s0 =	sor.u32 s3, s0;
	s1 =	sshll.u32 s1, $0x11  }
0xbf: {  	s0 =	sor.u32 s1, s0  }
0xc0: {  	s0 =	sadd.s32 $0x8F2B, s0  }
0xc1: {  	[sflag:s0] =	ssyncadd.remote.s32 $0x1  }
0xc2: {  	_ =	sfence.sel $0xFFFF  }
0xc3: {  	[dreg:$0x0] =	wrdreg $0xFFFFFFFF;
	(pc) =	sbr.abs _section_cstart, $3  }
0xc4: {  	[dreg:$0x1] =	wrdreg $0xFFFFFFFF  }
0xc5: {  	_ =	task.clear_ibuf [dreg:s8], $0x2FFFF;
	_ =	strace $0x9FFFFFFF  }
0xc6: {  	(tm) =	ssettm $0x7FFFFFFF  }
0xc7: {  	_ =	shalt  }
tec
execute0_lowered:
.L_overlay_start_1:
0x0: {  	(tag) =	ssettag $0x1  }
0x1: {  	s0 =	rddreg [dreg:$0x0]  }
0x2: {  	s1 =	rddreg [dreg:$0x1]  }
0x3: {  	s5 =	rddreg [dreg:$0x2]  }
0x4: {  	s2 =	rddreg [dreg:$0x3];
	s23 =	stileid.u32  }
0x5: {  	s4 =	srdreg.scid;
	s3 =	rddreg [dreg:$0x4]  }
0x6: {  	s18 =	simm.s32 $0x4F00;
	s28 =	simm.s32 $0x6F00;
	s31 =	simm.s32 $0x7F00  }
0x7: {  	s29 =	simm.s32 $0x6;
	s12 =	smul.u32 $0xA000, s23;
	s8 =	sand.u32 $0x1, s4  }
0x8: {  	s4 =	simm.s32 $0x0;
	s19 =	sshll.u32 s23, $0x1;
	s21 =	smul.u32 $0x14000, s23  }
0x9: {  	p0 =	sgt.u32 s23, $0x1;
	s6 =	ssub.s32 $0x2, s8;
	[smem:$0x7FF] =	sst s4  }
0xa: {  	s13 =	sor.u32 s8, s19;
	s15 =	smul.u32 $0xA0000, s8;
	s19 =	simm.s32 $0x4  }
0xb: {  	s7 =	sshrl.u32 s12, $0x4;
	s9 =	sshrl.u32 s6, $0x1;
	_ =	strace $0x80000047  }
0xc: {  	s20 =	sshrl.u32 s12, $0x1;
	s22 =	smul.u32 $0x9C0, s13;
	s10 =	sshrl.u32 s21, $0x2  }
0xd: {  	s25 =	sshll.u32 s13, $0x5;
	s21 =	simm.s32 $0x3;
	s0 =	sadd.s32 s7, s0  }
0xe: {  	s16 =	ssub.s32 s6, s9;
	s17 =	sadd.s32 s20, s2;
	s6 =	sshll.u32 s23, $0x6  }
0xf: {  	s14 =	sadd.s32 s10, s3;
	s9 =	sadd.s32 s20, s3;
	s26 =	sadd.s32 s12, s15  }
0x10: {  	s20 =	simm.s32 $0x2;
	s23 =	simm.s32 $0x8;
	s0 =	sadd.s32 $0xE00, s0  }
0x11: {  	s24 =	sor.u32 $0x1C02, s6;
	s10 =	sadd.s32 $0x1000, s14;
	s11 =	sadd.s32 $0x2000, s14  }
0x12: {  	s12 =	sadd.s32 $0x3000, s14;
	s30 =	sshrl.u32 s26, $0x4;
	s13 =	sadd.s32 $0x4000, s14  }
0x13: {  	s16 =	smax.u32 s16, $0x1;
	s17 =	sshrl.u32 s17, $0x3;
	[dreg:$0x6] =	wrdreg s0  }
0x14: {  	s26 =	simm.s32 $0x9;
	[dreg:$0x7] =	wrdreg s24;
	s0 =	sadd.s32 s1, s22  }
0x15: {  	s15 =	sadd.s32 s5, s30;
	s22 =	simm.s32 $0x80;
	s24 =	simm.s32 $0x5F00  }
0x16: {  	[dreg:$0x8] =	wrdreg s0;
	s0 =	sadd.s32 s25, s1;
	s25 =	simm.s32 $0x1  }
0x17: {  	v0 =	vimm.bf16 $0.0e+00;
	s1 =	simm.s32 $0x7;
	s14 =	sadd.s32 $0x13800, s0;
	s0 =	simm.s32 $0x5  }
.LBB2_1:
0x18: {  	s5 =	simm.s32 $0x80;
	s30 =	simm.s32 $0x0  }
.LBB2_2:
0x19: {  	p1 =	sne.s32 s5, $0x3F80;
	[tilespmem:s30+$0x4F00] =	vst v0;
	s7 =	smov.u32 s5;
	s5 =	sadd.s32 $0x80, s5  }
.Ltmp0:
0x1a: {  	[tilespmem:s30+$0x4F10] =	vst v0;
	(pc) =	sbr.rel @p1 .LBB2_2-.Ltmp0, $2  }
0x1b: {  	_ =	sdelay $0x2  }
0x1c: {  	s30 =	sshra.s32 s7, $0x2  }
0x1d: {  	[tilespmem:s30+$0x4F00] =	vst v0;
	s5 =	rddreg [dreg:$0x6]  }
0x1e: {  	[tilespmem:s30+$0x4F10] =	vst v0;
	s7 =	rddreg [dreg:$0x7]  }
0x1f: {  	[spmem:s17], [sflag:s7] =	dma.local [hbm:s5], $0xA00  }
0x20: {  	s8 =	simm.s32 $0x0;
	s7 =	rddreg [dreg:$0x8]  }
0x21: {  	[tilespmem:s8], [sflag:$0x3] =	stream.linear.gather [hbm4b:s7+s8], $0x4E00, $0x38;
	[tilespmem:$0x12F00] =	vst v63  }
0x22: {  	_ = 	snop  }
0x23: {  	[spmem:s9] =	stream.linear.scatter [tilespmem:s18], [sflag:$0x4], $0x1000, $0x38;
	[tilespmem:$0x12F00] =	vst v63  }
0x24: {  	_ = 	snop  }
0x25: {  	[spmem:s10] =	stream.linear.scatter [tilespmem:s18], [sflag:$0x4], $0x1000, $0x38;
	[tilespmem:$0x12F00] =	vst v63  }
0x26: {  	_ = 	snop  }
0x27: {  	[spmem:s11] =	stream.linear.scatter [tilespmem:s18], [sflag:$0x4], $0x1000, $0x38;
	[tilespmem:$0x12F00] =	vst v63  }
0x28: {  	_ = 	snop  }
0x29: {  	[spmem:s12] =	stream.linear.scatter [tilespmem:s18], [sflag:$0x4], $0x1000, $0x38;
	[tilespmem:$0x12F00] =	vst v63  }
0x2a: {  	_ = 	snop  }
0x2b: {  	[spmem:s13] =	stream.linear.scatter [tilespmem:s18], [sflag:$0x4], $0x1000, $0x38;
	[tilespmem:$0x12F00] =	vst v63  }
0x2c: {  	_ =	swait.ge [sflag:s19], $0x1000  }
0x2d: {  	[sflag:s19] =	ssyncset.done $0x0  }
0x2e: {  	[sflag:s19] =	ssyncadd.s32 $0xFFFFF000  }
0x2f: {  	_ =	swait.ge [sflag:s19], $0x1000  }
0x30: {  	[sflag:s19] =	ssyncset.done $0x0  }
0x31: {  	[sflag:s19] =	ssyncadd.s32 $0xFFFFF000  }
0x32: {  	_ =	swait.ge [sflag:s19], $0x1000  }
0x33: {  	[sflag:s19] =	ssyncset.done $0x0  }
0x34: {  	[sflag:s19] =	ssyncadd.s32 $0xFFFFF000  }
0x35: {  	_ =	swait.ge [sflag:s19], $0x1000  }
0x36: {  	[sflag:s19] =	ssyncset.done $0x0  }
0x37: {  	[sflag:s19] =	ssyncadd.s32 $0xFFFFF000  }
0x38: {  	_ =	swait.ge [sflag:s19], $0x1000  }
0x39: {  	[sflag:s19] =	ssyncset.done $0x0  }
0x3a: {  	[sflag:s19] =	ssyncadd.s32 $0xFFFFF000  }
0x3b: {  	_ =	swait.ge [sflag:s20], $0xA00  }
0x3c: {  	[sflag:s20] =	ssyncset.done $0x0  }
0x3d: {  	[sflag:s20] =	ssyncadd.s32 $0xFFFFF600  }
0x3e: {  	_ =	swait.ge [sflag:s21], $0x4E00  }
0x3f: {  	[sflag:s21] =	ssyncset.done $0x0  }
0x40: {  	[sflag:s21] =	ssyncadd.s32 $0xFFFFB200  }
0x41: {  	[bflag:$0x0] =	sbarrier.arrive $0xFFFF  }
0x42: {  	[tilespmem:s18], [sflag:$0x1] =	stream.indirect.gather [spmem:s2], $0x20, s8, s22, $0xb8;
	[tilespmem:$0x12F00] =	vst v63  }
0x43: {  	s8 =	simm.s32 $0x100  }
0x44: {  	[tilespmem:s24], [sflag:$0x2] =	stream.indirect.gather [spmem:s2], $0x20, s8, s22, $0xb8;
	[tilespmem:$0x12F00] =	vst v63  }
0x45: {  	_ =	swait.ge [sflag:s25], $0x1000  }
0x46: {  	[sflag:s25] =	ssyncset.done $0x0  }
0x47: {  	[sflag:s25] =	ssyncadd.s32 $0xFFFFF000  }
0x48: {  	[spmem:s3] =	stream.indirect.scatter.add.bf16 [tilespmem:s18], [sflag:$0x5], $0x20, s22, s22, $0xb8;
	[tilespmem:$0x12F00] =	vst v63  }
0x49: {  	s7 =	simm.s32 $0x200  }
0x4a: {  	[tilespmem:s28], [sflag:$0x3] =	stream.indirect.gather [spmem:s2], $0x20, s7, s22, $0xb8;
	[tilespmem:$0x12F00] =	vst v63  }
0x4b: {  	_ =	swait.ge [sflag:s20], $0x1000  }
0x4c: {  	[sflag:s20] =	ssyncset.done $0x0  }
0x4d: {  	s8 =	simm.s32 $0x180;
	[sflag:s20] =	ssyncadd.s32 $0xFFFFF000  }
0x4e: {  	[spmem:s3] =	stream.indirect.scatter.add.bf16 [tilespmem:s24], [sflag:$0x6], $0x20, s8, s22, $0xb8;
	[tilespmem:$0x12F00] =	vst v63  }
0x4f: {  	s7 =	simm.s32 $0x300  }
0x50: {  	[tilespmem:s31], [sflag:$0x4] =	stream.indirect.gather [spmem:s2], $0x20, s7, s22, $0xb8;
	[tilespmem:$0x12F00] =	vst v63  }
0x51: {  	_ =	swait.ge [sflag:s21], $0x1000  }
0x52: {  	[sflag:s21] =	ssyncset.done $0x0  }
0x53: {  	s8 =	simm.s32 $0x280;
	[sflag:s21] =	ssyncadd.s32 $0xFFFFF000  }
0x54: {  	[spmem:s3] =	stream.indirect.scatter.add.bf16 [tilespmem:s28], [sflag:$0x7], $0x20, s8, s22, $0xb8;
	[tilespmem:$0x12F00] =	vst v63  }
0x55: {  	_ =	swait.ge [sflag:s0], $0x1000  }
0x56: {  	[sflag:s0] =	ssyncset.done $0x0  }
0x57: {  	s7 =	simm.s32 $0x400;
	[sflag:s0] =	ssyncadd.s32 $0xFFFFF000  }
0x58: {  	[tilespmem:s18], [sflag:$0x1] =	stream.indirect.gather [spmem:s2], $0x20, s7, s22, $0xb8;
	[tilespmem:$0x12F00] =	vst v63  }
0x59: {  	_ =	swait.ge [sflag:s19], $0x1000  }
0x5a: {  	[sflag:s19] =	ssyncset.done $0x0  }
0x5b: {  	s8 =	simm.s32 $0x380;
	[sflag:s19] =	ssyncadd.s32 $0xFFFFF000  }
0x5c: {  	[spmem:s3] =	stream.indirect.scatter.add.bf16 [tilespmem:s31], [sflag:$0x8], $0x20, s8, s22, $0xb8;
	[tilespmem:$0x12F00] =	vst v63  }
0x5d: {  	_ =	swait.ge [sflag:s29], $0x1000  }
0x5e: {  	[sflag:s29] =	ssyncset.done $0x0  }
0x5f: {  	s7 =	simm.s32 $0x500;
	[sflag:s29] =	ssyncadd.s32 $0xFFFFF000  }
0x60: {  	[tilespmem:s24], [sflag:$0x2] =	stream.indirect.gather [spmem:s2], $0x20, s7, s22, $0xb8;
	[tilespmem:$0x12F00] =	vst v63  }
0x61: {  	_ =	swait.ge [sflag:s25], $0x1000  }
0x62: {  	[sflag:s25] =	ssyncset.done $0x0  }
0x63: {  	s8 =	simm.s32 $0x480;
	[sflag:s25] =	ssyncadd.s32 $0xFFFFF000  }
0x64: {  	[spmem:s3] =	stream.indirect.scatter.add.bf16 [tilespmem:s18], [sflag:$0x5], $0x20, s8, s22, $0xb8;
	[tilespmem:$0x12F00] =	vst v63  }
0x65: {  	_ =	swait.ge [sflag:s1], $0x1000  }
0x66: {  	[sflag:s1] =	ssyncset.done $0x0  }
0x67: {  	s7 =	simm.s32 $0x600;
	[sflag:s1] =	ssyncadd.s32 $0xFFFFF000  }
0x68: {  	[tilespmem:s28], [sflag:$0x3] =	stream.indirect.gather [spmem:s2], $0x20, s7, s22, $0xb8;
	[tilespmem:$0x12F00] =	vst v63  }
0x69: {  	_ =	swait.ge [sflag:s20], $0x1000  }
0x6a: {  	[sflag:s20] =	ssyncset.done $0x0  }
0x6b: {  	s8 =	simm.s32 $0x580;
	[sflag:s20] =	ssyncadd.s32 $0xFFFFF000  }
0x6c: {  	[spmem:s3] =	stream.indirect.scatter.add.bf16 [tilespmem:s24], [sflag:$0x6], $0x20, s8, s22, $0xb8;
	[tilespmem:$0x12F00] =	vst v63  }
0x6d: {  	_ =	swait.ge [sflag:s23], $0x1000  }
0x6e: {  	[sflag:s23] =	ssyncset.done $0x0  }
0x6f: {  	s7 =	simm.s32 $0x700;
	[sflag:s23] =	ssyncadd.s32 $0xFFFFF000  }
0x70: {  	[tilespmem:s31], [sflag:$0x4] =	stream.indirect.gather [spmem:s2], $0x20, s7, s22, $0xb8;
	[tilespmem:$0x12F00] =	vst v63  }
0x71: {  	_ =	swait.ge [sflag:s21], $0x1000  }
0x72: {  	[sflag:s21] =	ssyncset.done $0x0  }
0x73: {  	s8 =	simm.s32 $0x680;
	[sflag:s21] =	ssyncadd.s32 $0xFFFFF000  }
0x74: {  	[spmem:s3] =	stream.indirect.scatter.add.bf16 [tilespmem:s28], [sflag:$0x7], $0x20, s8, s22, $0xb8;
	[tilespmem:$0x12F00] =	vst v63  }
0x75: {  	_ =	swait.ge [sflag:s0], $0x1000  }
0x76: {  	[sflag:s0] =	ssyncset.done $0x0  }
0x77: {  	s7 =	simm.s32 $0x800;
	[sflag:s0] =	ssyncadd.s32 $0xFFFFF000  }
0x78: {  	[tilespmem:s18], [sflag:$0x1] =	stream.indirect.gather [spmem:s2], $0x20, s7, s22, $0xb8;
	[tilespmem:$0x12F00] =	vst v63  }
0x79: {  	_ =	swait.ge [sflag:s19], $0x1000  }
0x7a: {  	[sflag:s19] =	ssyncset.done $0x0  }
0x7b: {  	s8 =	simm.s32 $0x780;
	[sflag:s19] =	ssyncadd.s32 $0xFFFFF000  }
0x7c: {  	[spmem:s3] =	stream.indirect.scatter.add.bf16 [tilespmem:s31], [sflag:$0x8], $0x20, s8, s22, $0xb8;
	[tilespmem:$0x12F00] =	vst v63  }
0x7d: {  	_ =	swait.ge [sflag:s29], $0x1000  }
0x7e: {  	[sflag:s29] =	ssyncset.done $0x0  }
0x7f: {  	s30 =	simm.s32 $0x1000;
	s5 =	simm.s32 $0x900;
	[sflag:s29] =	ssyncadd.s32 $0xFFFFF000  }
.LBB2_4:
0x80: {  	[tilespmem:s24], [sflag:$0x2] =	stream.indirect.gather [spmem:s2], $0x20, s5, s22, $0xb8;
	[tilespmem:$0x12F00] =	vst v63  }
0x81: {  	s5 =	smov.u32 s30  }
0x82: {  	p1 =	sne.s32 s30, $0x11000;
	s30 =	sadd.s32 $0x1000, s30;
	_ =	swait.ge [sflag:s25], $0x1000  }
0x83: {  	s5 =	sshra.s32 s5, $0x2;
	[sflag:s25] =	ssyncset.done $0x0  }
0x84: {  	s7 =	sadd.s32 $0x480, s5;
	[sflag:s25] =	ssyncadd.s32 $0xFFFFF000  }
0x85: {  	[spmem:s3] =	stream.indirect.scatter.add.bf16 [tilespmem:s18], [sflag:$0x5], $0x20, s7, s22, $0xb8;
	[tilespmem:$0x12F00] =	vst v63  }
0x86: {  	_ =	swait.ge [sflag:s1], $0x1000  }
0x87: {  	[sflag:s1] =	ssyncset.done $0x0  }
0x88: {  	s7 =	sadd.s32 $0x600, s5;
	[sflag:s1] =	ssyncadd.s32 $0xFFFFF000  }
0x89: {  	[tilespmem:s28], [sflag:$0x3] =	stream.indirect.gather [spmem:s2], $0x20, s7, s22, $0xb8;
	[tilespmem:$0x12F00] =	vst v63  }
0x8a: {  	_ =	swait.ge [sflag:s20], $0x1000  }
0x8b: {  	[sflag:s20] =	ssyncset.done $0x0  }
0x8c: {  	s7 =	sadd.s32 $0x580, s5;
	[sflag:s20] =	ssyncadd.s32 $0xFFFFF000  }
0x8d: {  	[spmem:s3] =	stream.indirect.scatter.add.bf16 [tilespmem:s24], [sflag:$0x6], $0x20, s7, s22, $0xb8;
	[tilespmem:$0x12F00] =	vst v63  }
0x8e: {  	_ =	swait.ge [sflag:s23], $0x1000  }
0x8f: {  	[sflag:s23] =	ssyncset.done $0x0  }
0x90: {  	s7 =	sadd.s32 $0x700, s5;
	[sflag:s23] =	ssyncadd.s32 $0xFFFFF000  }
0x91: {  	[tilespmem:s31], [sflag:$0x4] =	stream.indirect.gather [spmem:s2], $0x20, s7, s22, $0xb8;
	[tilespmem:$0x12F00] =	vst v63  }
0x92: {  	_ =	swait.ge [sflag:s21], $0x1000  }
0x93: {  	[sflag:s21] =	ssyncset.done $0x0  }
0x94: {  	s7 =	sadd.s32 $0x680, s5;
	[sflag:s21] =	ssyncadd.s32 $0xFFFFF000  }
0x95: {  	[spmem:s3] =	stream.indirect.scatter.add.bf16 [tilespmem:s28], [sflag:$0x7], $0x20, s7, s22, $0xb8;
	[tilespmem:$0x12F00] =	vst v63  }
0x96: {  	_ =	swait.ge [sflag:s0], $0x1000  }
0x97: {  	[sflag:s0] =	ssyncset.done $0x0  }
0x98: {  	s7 =	sadd.s32 $0x800, s5;
	[sflag:s0] =	ssyncadd.s32 $0xFFFFF000  }
0x99: {  	[tilespmem:s18], [sflag:$0x1] =	stream.indirect.gather [spmem:s2], $0x20, s7, s22, $0xb8;
	[tilespmem:$0x12F00] =	vst v63  }
0x9a: {  	_ =	swait.ge [sflag:s19], $0x1000  }
0x9b: {  	[sflag:s19] =	ssyncset.done $0x0  }
.Ltmp1:
0x9c: {  	s7 =	sadd.s32 $0x780, s5;
	[sflag:s19] =	ssyncadd.s32 $0xFFFFF000;
	(pc) =	sbr.rel @p1 .LBB2_4-.Ltmp1, $4  }
0x9d: {  	[spmem:s3] =	stream.indirect.scatter.add.bf16 [tilespmem:s31], [sflag:$0x8], $0x20, s7, s22, $0xb8;
	[tilespmem:$0x12F00] =	vst v63  }
0x9e: {  	_ =	swait.ge [sflag:s29], $0x1000  }
0x9f: {  	[sflag:s29] =	ssyncset.done $0x0  }
0xa0: {  	s5 =	sadd.s32 $0x900, s5;
	[sflag:s29] =	ssyncadd.s32 $0xFFFFF000  }
0xa1: {  	[tilespmem:s24], [sflag:$0x2] =	stream.indirect.gather [spmem:s2], $0x20, s5, s22, $0xb8;
	[tilespmem:$0x12F00] =	vst v63  }
0xa2: {  	_ =	swait.ge [sflag:s25], $0x1000  }
0xa3: {  	[sflag:s25] =	ssyncset.done $0x0  }
0xa4: {  	s30 =	simm.s32 $0x4C80;
	[sflag:s25] =	ssyncadd.s32 $0xFFFFF000  }
0xa5: {  	[spmem:s3] =	stream.indirect.scatter.add.bf16 [tilespmem:s18], [sflag:$0x5], $0x20, s30, s22, $0xb8;
	[tilespmem:$0x12F00] =	vst v63  }
0xa6: {  	_ =	swait.ge [sflag:s20], $0x1000  }
0xa7: {  	[sflag:s20] =	ssyncset.done $0x0  }
0xa8: {  	s7 =	simm.s32 $0x4D80;
	[sflag:s20] =	ssyncadd.s32 $0xFFFFF000  }
0xa9: {  	[spmem:s3] =	stream.indirect.scatter.add.bf16 [tilespmem:s24], [sflag:$0x6], $0x20, s7, s22, $0xb8;
	[tilespmem:$0x12F00] =	vst v63  }
0xaa: {  	_ =	swait.ge [sflag:s1], $0x1000  }
0xab: {  	[sflag:s1] =	ssyncset.done $0x0  }
0xac: {  	[sflag:s1] =	ssyncadd.s32 $0xFFFFF000  }
0xad: {  	_ =	swait.ge [sflag:s23], $0x1000  }
0xae: {  	[sflag:s23] =	ssyncset.done $0x0  }
0xaf: {  	[sflag:s23] =	ssyncadd.s32 $0xFFFFF000  }
0xb0: {  	_ =	swait.ge [sflag:s0], $0x1000  }
0xb1: {  	[sflag:s0] =	ssyncset.done $0x0  }
0xb2: {  	[sflag:s0] =	ssyncadd.s32 $0xFFFFF000  }
0xb3: {  	_ =	swait.ge [sflag:s29], $0x1000  }
0xb4: {  	[sflag:s29] =	ssyncset.done $0x0  }
0xb5: {  	s5 =	simm.s32 @!p0 $0x0;
	s7 =	simm.s32 @!p0 $0x9;
	[sflag:s29] =	ssyncadd.s32 $0xFFFFF000  }
0xb6: {  	[tilespmem:s5], [sflag:$0x9] =	stream.linear.gather @!p0 [hbm4b:s14+s5], $0x100, $0x38;
	[tilespmem:$0x12F00] =	vst v63  }
0xb7: {  	_ =	swait.ge @!p0 [sflag:s7], $0x100  }
0xb8: {  	[sflag:s7] =	ssyncset.done @!p0 $0x0  }
0xb9: {  	s8 =	simm.s32 @!p0 $0x4F00;
	s30 =	simm.s32 @!p0 $0x80;
	[sflag:s7] =	ssyncadd.s32 @!p0 $0xFFFFFF00  }
0xba: {  	[tilespmem:s8], [sflag:$0x1] =	stream.indirect.gather @!p0 [spmem:s2], $0x20, s5, s30, $0xb8;
	[tilespmem:$0x12F00] =	vst v63  }
0xbb: {  	s5 =	simm.s32 @!p0 $0x1  }
0xbc: {  	_ =	swait.ge @!p0 [sflag:s5], $0x1000  }
0xbd: {  	[sflag:s5] =	ssyncset.done @!p0 $0x0  }
0xbe: {  	[sflag:s5] =	ssyncadd.s32 @!p0 $0xFFFFF000  }
0xbf: {  	[spmem:s3] =	stream.indirect.scatter.add.bf16 @!p0 [tilespmem:s8], [sflag:$0x9], $0x20, s30, s30, $0xb8;
	[tilespmem:$0x12F00] =	vst v63  }
0xc0: {  	_ =	swait.ge @!p0 [sflag:s7], $0x1000  }
0xc1: {  	s4 =	sadd.s32 $0x1, s4;
	[sflag:s7] =	ssyncset.done @!p0 $0x0  }
0xc2: {  	p1 =	sne.s32 s4, s16;
	s8 =	sor.u32 $0x1C09, s6;
	[sflag:s7] =	ssyncadd.s32 @!p0 $0xFFFFF000  }
.Ltmp2:
0xc3: {  	s30 =	sshrl.u32 s9, $0x3;
	[bflag:$0x0] =	sbarrier.arrive $0xFFFF;
	(pc) =	sbr.rel @p1 .LBB2_1-.Ltmp2, $4  }
0xc4: {  	[hbm:s15], [sflag:s8] =	dma.local [spmem:s30], $0xA00  }
0xc5: {  	_ =	swait.ge [sflag:s26], $0xA00  }
0xc6: {  	[sflag:s26] =	ssyncset.done $0x0  }
0xc7: {  	[sflag:s26] =	ssyncadd.s32 $0xFFFFF600  }
0xc8: {  	_ =	sfence.sel $0x180000  }
0xc9: {  	[bflag:$0x0] =	sbarrier.arrive $0xFFFF  }
0xca: {  	_ =	strace $0x90000047  }
0xcb: {  	s0 =	stileid.u32;
	[bflag:$0x2] =	sbarrier.arrive $0xFFFF  }
0xcc: {  	p0 =	sne.s32 s0, $0x0;
	s0 =	rddreg [dreg:$0x5]  }
0xcd: {  	s0 =	sadd.s32 @!p0 $0x100000, s0  }
0xce: {  	[sflag:s0] =	ssyncadd.tile.s32 @!p0 $0x1;
	_ =	shalt  }
.Lfunc_end2:
_tile_overlayer_lowered:
.L_overlay_start_2:
0xcf: {  	(tag) =	ssettag $0x2  }
0xd0: {  	s0 =	rddreg [dreg:$0x0];
	s2 =	stileid.u32  }
0xd1: {  	s1 =	rddreg [dreg:$0x1];
	p0 =	sne.s32 s2, $0x0  }
0xd2: {  	s3 =	rddreg [dreg:$0x2];
	[bflag:$0x3] =	sbarrier.arrive $0xFFFF;
	s2 =	simm.s32 @!p0 $0x1C09  }
0xd3: {  	[timem:s3], [sflag:s2] =	dma.local @!p0 [hbm:s0], s1  }
0xd4: {  	s0 =	simm.s32 @!p0 $0x9  }
0xd5: {  	_ =	swait.ge @!p0 [sflag:s0], s1  }
0xd6: {  	s1 =	ssub.s32 @!p0 $0x0, s1;
	[sflag:s0] =	ssyncset.done @!p0 $0x0  }
0xd7: {  	[sflag:s0] =	ssyncadd.s32 @!p0 s1  }
0xd8: {  	[bflag:$0x3] =	sbarrier.arrive $0xFFFF  }
0xd9: {  	_ =	shalt  }

</sc_bundles>
